<compile_context>
chip_gen: v7x
topology: tpu7x:2x2x1
jax: 0.10.2.dev20260603
libtpu: 0.0.44.dev20260713+nightly
codegen_flags: <defaults>
</compile_context>

<pallas_src>
import functools

import jax
import jax.numpy as jnp
from jax import lax
from jax.experimental import pallas as pl
from jax.experimental.pallas import tpu as pltpu
from jax.experimental.pallas import tpu_sc as plsc

H, W = 512, 512
N = H * W
NUM_CORES, NUM_SUBCORES, LANES = 2, 16, 16
NUM_WORKERS = NUM_CORES * NUM_SUBCORES
ROWS_PER_WORKER = H // NUM_WORKERS
NODES_PER_WORKER = ROWS_PER_WORKER * W
SLAB_ROWS = ROWS_PER_WORKER + 2
PAD = 16
SLAB_LEN = PAD + SLAB_ROWS * W + PAD
CHUNKS_PER_ROW = W // LANES


GROUPS = 4
GROUP_ROWS = ROWS_PER_WORKER // GROUPS


def _body(w_hbm, vals_hbm, idx_hbm, slab, vbuf, ibuf, sem):
    wid = lax.axis_index("s") * NUM_CORES + lax.axis_index("c")
    r0 = wid * ROWS_PER_WORKER
    start = jnp.clip(r0 - 1, 0, H - SLAB_ROWS)
    pltpu.sync_copy(w_hbm.at[pl.ds(start * W, SLAB_ROWS * W)],
                    slab.at[pl.ds(PAD, SLAB_ROWS * W)])

    iota = lax.iota(jnp.int32, LANES)
    zf = jnp.zeros((LANES,), jnp.float32)
    zi = jnp.zeros((LANES,), jnp.int32)

    def row_loop(ri, _):
        g = r0 + ri
        row_s = g - start
        row_dn = jnp.minimum(row_s + 1, SLAB_ROWS - 1)
        row_up = jnp.maximum(row_s - 1, 0)
        mid0 = PAD + row_s * W
        dn0 = PAD + row_dn * W
        up0 = PAD + row_up * W
        kg_row = g * W
        kloc_row = ri * W

        def chunk(t, mask_row, mask_rt, mask_lt):
            j = t * LANES
            jv = iota + j
            kg = kg_row + jv
            kloc = kloc_row + jv

            v_dn = slab[pl.ds(dn0 + j, LANES)]
            v_up = slab[pl.ds(up0 + j, LANES)]
            v_rt = slab[pl.ds(mid0 + j + 1, LANES)]
            v_lt = slab[pl.ds(mid0 + j - 1, LANES)]

            def sel(m, x, z):
                return jnp.where(m, x, z) if m is not None else x

            m_dn = (kg < (N - W)) if mask_row else None
            m_up = (kg >= W) if mask_row else None
            m_rt = (jv < (W - 1)) if mask_rt else None
            m_lt = (jv > 0) if mask_lt else None

            e4 = kloc * 4
            plsc.store_scatter(vbuf, [e4], sel(m_dn, v_dn, zf))
            plsc.store_scatter(vbuf, [e4 + 1], sel(m_up, v_up, zf))
            plsc.store_scatter(vbuf, [e4 + 2], sel(m_rt, v_rt, zf))
            plsc.store_scatter(vbuf, [e4 + 3], sel(m_lt, v_lt, zf))

            S = (kloc_row + j) * 4
            boff = (S // 128) * 128
            es = e4 + boff
            plsc.store_scatter(ibuf, [es], sel(m_dn, kg, zi))
            plsc.store_scatter(ibuf, [es + 1], sel(m_up, kg, zi))
            plsc.store_scatter(ibuf, [es + 2], sel(m_rt, kg, zi))
            plsc.store_scatter(ibuf, [es + 3], sel(m_lt, kg, zi))
            et = es + 128
            plsc.store_scatter(ibuf, [et], sel(m_dn, kg + W, zi))
            plsc.store_scatter(ibuf, [et + 1], sel(m_up, kg - W, zi))
            plsc.store_scatter(ibuf, [et + 2], sel(m_rt, kg + 1, zi))
            plsc.store_scatter(ibuf, [et + 3], sel(m_lt, kg - 1, zi))
            return 0

        lax.fori_loop(0, CHUNKS_PER_ROW,
                      lambda t, c: chunk(t, True, True, True), 0)
        return 0

    vbase = wid * (NODES_PER_WORKER * 4)
    ibase = wid * (NODES_PER_WORKER * 8)
    VG = GROUP_ROWS * W * 4
    IG = GROUP_ROWS * W * 8
    copies = []
    for gi in range(GROUPS):
        lax.fori_loop(gi * GROUP_ROWS, (gi + 1) * GROUP_ROWS, row_loop, 0)
        copies.append(pltpu.make_async_copy(
            vbuf.at[pl.ds(gi * VG, VG)],
            vals_hbm.at[pl.ds(vbase + gi * VG, VG)], sem))
        copies.append(pltpu.make_async_copy(
            ibuf.at[pl.ds(gi * IG, IG)],
            idx_hbm.at[pl.ds(ibase + gi * IG, IG)], sem))
        copies[-2].start()
        copies[-1].start()
    for c in copies:
        c.wait()


@functools.cache
def _grid_graph():
    return functools.partial(
        pl.kernel,
        out_type=[
            jax.ShapeDtypeStruct((N * 4,), jnp.float32),
            jax.ShapeDtypeStruct((N * 8,), jnp.int32),
        ],
        mesh=plsc.VectorSubcoreMesh(core_axis_name="c", subcore_axis_name="s",
                                    num_cores=NUM_CORES,
                                    num_subcores=NUM_SUBCORES),
        scratch_types=[
            pltpu.VMEM((SLAB_LEN,), jnp.float32),
            pltpu.VMEM((NODES_PER_WORKER * 4,), jnp.float32),
            pltpu.VMEM((NODES_PER_WORKER * 8,), jnp.int32),
            pltpu.SemaphoreType.DMA,
        ],
        compiler_params=pltpu.CompilerParams(needs_layout_passes=False),
    )(_body)


@jax.jit
def kernel(activities, vertex_weights):
    del activities
    values, idx_flat = _grid_graph()(vertex_weights.reshape(-1))
    indices = idx_flat.reshape(N * 4 // 128, 2, 128).transpose(0, 2, 1)
    return values, indices.reshape(N * 4, 2)

# --- scband reference (transcript-rebuilt; emitter-appended) ---
"""Pipeline reference for scband-grid-graph-44135083934080 (READ-ONLY COPY).

The authoritative reference and input builder live on the scoring server;
editing this copy changes nothing except your own understanding.
"""

import jax, jax.numpy as jnp
import numpy as np

H, W = 512, 512
N = H * W
NEIGHBORS = jnp.array([(1, 0), (-1, 0), (0, 1), (0, -1)])


def setup_inputs(seed: int = 0) -> dict:
    key = jax.random.key(seed)
    activities = jnp.ones((H, W), dtype=bool)
    vertex_weights = jax.random.uniform(jax.random.fold_in(key, 1), (H, W), dtype=jnp.float32)
    return {"activities": activities, "vertex_weights": vertex_weights}


def _adjacency(activities, vertex_weights):
    # Faithful translation of GridGraph.get_adjacency_matrix (rook contiguity).
    nrows, ncols = activities.shape
    num_nodes = N  # nb_active is a static field; all cells active here
    # list_active_vertices + active_vertex_index_to_coord
    rows, cols = jnp.nonzero(activities, size=num_nodes)
    passive_index = rows * ncols + cols
    src_i = passive_index // ncols
    src_j = passive_index % ncols
    source_xy_coord = jnp.column_stack((src_i, src_j))
    # active map: (i,j) -> active vertex index (scatter-overwrite)
    active_map = jnp.full(activities.shape, -1, dtype=jnp.int32)
    active_map = active_map.at[source_xy_coord[:, 0], source_xy_coord[:, 1]].set(
        jnp.arange(num_nodes, dtype=jnp.int32))
    num_neighbors = NEIGHBORS.shape[0]
    candidate = source_xy_coord[:, None, :] + NEIGHBORS[None, :, :]
    in_bounds = ((candidate[..., 0] >= 0) & (candidate[..., 0] < nrows)
                 & (candidate[..., 1] >= 0) & (candidate[..., 1] < ncols))
    ci = candidate[..., 0].clip(0, nrows - 1)
    cj = candidate[..., 1].clip(0, ncols - 1)
    target_active = activities[ci, cj]
    edge_validity = in_bounds & target_active
    cand_valid = jnp.where(edge_validity[..., None], candidate, 0)
    # gather target active indices
    tgt = active_map[cand_valid[..., 0], cand_valid[..., 1]]
    tgt = jnp.where(edge_validity, tgt, 0)
    src = jnp.broadcast_to(jnp.arange(num_nodes, dtype=jnp.int32)[:, None],
                           (num_nodes, num_neighbors))
    src = jnp.where(edge_validity, src, 0)
    # gather permeability values at target cells
    values = vertex_weights[cand_valid[..., 0], cand_valid[..., 1]]
    values = jnp.where(edge_validity, values, 0.0)
    src = src.ravel()
    tgt = tgt.ravel()
    values = values.ravel()
    row_col_indices = jnp.stack([src, tgt], axis=1)
    return values, row_col_indices


def reference(activities, vertex_weights):
    # Returns the COO components of the BCOO adjacency matrix (data, indices),
    # shape (num_nodes, num_nodes) implied.
    values, row_col_indices = _adjacency(activities, vertex_weights)
    return values, row_col_indices

if __name__ == "__main__":
    import jax
    _d = setup_inputs()
    print(jax.jit(kernel)(*tuple(_d.values())))

</pallas_src>

<mosaic_0001>
#map = affine_map<(d0, d1) -> (0)>
module attributes {stable_mosaic.version = 14 : i64} {
  func.func @_body(%arg0: i32, %arg1: i32, %arg2: memref<262144xf32, #tpu.memory_space<hbm>>, %arg3: memref<1048576xf32, #tpu.memory_space<hbm>>, %arg4: memref<2097152xi32, #tpu.memory_space<hbm>>, %arg5: memref<9248xf32, #tpu.memory_space<vmem>>, %arg6: memref<32768xf32, #tpu.memory_space<vmem>>, %arg7: memref<65536xi32, #tpu.memory_space<vmem>>, %arg8: memref<!tpu.dma_semaphore, #tpu.memory_space<semaphore_mem>>) attributes {dimension_semantics = [#tpu.dimension_semantics<core_parallel>, #tpu.dimension_semantics<subcore_parallel>], iteration_bounds = array<i64: 2, 16>, scalar_prefetch = 0 : i64, scratch_operands = 4 : i64, tpu.core_type = #tpu.core_type<sc_vector_subcore>, window_params = [{transform_indices = #map}, {transform_indices = #map}, {transform_indices = #map}]} {
    %mul3A = arith.constant 2 : i32
    %mul3A_0 = arith.muli %arg1, %mul3A : i32
    %add3A = arith.addi %mul3A_0, %arg0 : i32
    %mul3A_1 = arith.constant 16 : i32
    %mul3A_2 = arith.muli %add3A, %mul3A_1 : i32
    %sub3A = arith.constant 1 : i32
    %sub3A_3 = arith.subi %mul3A_2, %sub3A : i32
    %jit3A = arith.constant 0 : i32
    %jit3A_4 = arith.constant 494 : i32
    %max3A = arith.maxsi %jit3A, %sub3A_3 : i32
    %min3A = arith.minsi %jit3A_4, %max3A : i32
    %mul3A_5 = arith.constant 512 : i32
    %mul3A_6 = arith.muli %min3A, %mul3A_5 : i32
    "tpu.region"() ({
      %run_scoped3A = tpu.sem_alloc : memref<!tpu.dma_semaphore, #tpu.memory_space<semaphore_mem>>
      %dma_start3A_151 = arith.constant 16 : i32
      %dma_start3A_152 = tpu.memref_slice %arg5[%dma_start3A_151] : memref<9248xf32, #tpu.memory_space<vmem>> -> memref<9216xf32, #tpu.memory_space<vmem>>
      %dma_start3A_153 = tpu.memref_slice %arg2[%mul3A_6] : memref<262144xf32, #tpu.memory_space<hbm>> -> memref<9216xf32, #tpu.memory_space<hbm>>
      %dma_start3A_154 = arith.constant 16 : i32
      %dma_start3A_155 = tpu.memref_slice %arg5[%dma_start3A_154] : memref<9248xf32, #tpu.memory_space<vmem>> -> memref<9216xf32, #tpu.memory_space<vmem>>
      %dma_start3A_156 = tpu.memref_slice %arg2[%mul3A_6] : memref<262144xf32, #tpu.memory_space<hbm>> -> memref<9216xf32, #tpu.memory_space<hbm>>
      tpu.enqueue_dma source(%dma_start3A_156 : memref<9216xf32, #tpu.memory_space<hbm>>) target(%dma_start3A_155 : memref<9216xf32, #tpu.memory_space<vmem>>) target_semaphore(%run_scoped3A : memref<!tpu.dma_semaphore, #tpu.memory_space<semaphore_mem>>)
      %dma_wait3A_157 = arith.constant 16 : i32
      %dma_wait3A_158 = tpu.memref_slice %arg5[%dma_wait3A_157] : memref<9248xf32, #tpu.memory_space<vmem>> -> memref<9216xf32, #tpu.memory_space<vmem>>
      %dma_wait3A_159 = tpu.memref_slice %arg2[%mul3A_6] : memref<262144xf32, #tpu.memory_space<hbm>> -> memref<9216xf32, #tpu.memory_space<hbm>>
      %dma_wait3A_160 = arith.constant 16 : i32
      %dma_wait3A_161 = tpu.memref_slice %arg5[%dma_wait3A_160] : memref<9248xf32, #tpu.memory_space<vmem>> -> memref<9216xf32, #tpu.memory_space<vmem>>
      %dma_wait3A_162 = tpu.memref_slice %arg2[%mul3A_6] : memref<262144xf32, #tpu.memory_space<hbm>> -> memref<9216xf32, #tpu.memory_space<hbm>>
      tpu.wait_dma2 semaphore(%run_scoped3A : memref<!tpu.dma_semaphore, #tpu.memory_space<semaphore_mem>>) src(%dma_wait3A_162 : memref<9216xf32, #tpu.memory_space<hbm>>) dst(%dma_wait3A_161 : memref<9216xf32, #tpu.memory_space<vmem>>)
      tpu.yield
    }) : () -> ()
    %iota3A = tpu.iota {dimensions = array<i32: 0>} : vector<16xi32>
    %broadcast_in_dim3A = arith.constant 0.000000e+00 : f32
    %broadcast_in_dim3A_7 = vector.broadcast %broadcast_in_dim3A : f32 to vector<16xf32>
    %broadcast_in_dim3A_8 = arith.constant 0 : i32
    %broadcast_in_dim3A_9 = vector.broadcast %broadcast_in_dim3A_8 : i32 to vector<16xi32>
    %mul3A_10 = arith.constant 32768 : i32
    %mul3A_11 = arith.muli %add3A, %mul3A_10 : i32
    %mul3A_12 = arith.constant 65536 : i32
    %mul3A_13 = arith.muli %add3A, %mul3A_12 : i32
    %scan3A = arith.constant 0 : i32
    %scan3A_14 = arith.constant 0 : i32
    %scan3A_15 = arith.constant 4 : i32
    %scan3A_16 = arith.addi %scan3A_14, %scan3A_15 : i32
    %scan3A_17 = arith.constant 1 : i32
    %scan3A_18 = scf.for %scan3A_151 = %scan3A_14 to %scan3A_16 step %scan3A_17 iter_args(%scan3A_152 = %scan3A) -> (i32)  : i32 {
      %add3A_153 = arith.addi %mul3A_2, %scan3A_151 : i32
      %sub3A_154 = arith.subi %add3A_153, %min3A : i32
      %add3A_155 = arith.constant 1 : i32
      %add3A_156 = arith.addi %sub3A_154, %add3A_155 : i32
      %min3A_157 = arith.constant 17 : i32
      %min3A_158 = arith.minsi %add3A_156, %min3A_157 : i32
      %sub3A_159 = arith.constant 1 : i32
      %sub3A_160 = arith.subi %sub3A_154, %sub3A_159 : i32
      %max3A_161 = arith.constant 0 : i32
      %max3A_162 = arith.maxsi %sub3A_160, %max3A_161 : i32
      %mul3A_163 = arith.constant 512 : i32
      %mul3A_164 = arith.muli %sub3A_154, %mul3A_163 : i32
      %add3A_165 = arith.constant 16 : i32
      %add3A_166 = arith.addi %add3A_165, %mul3A_164 : i32
      %mul3A_167 = arith.constant 512 : i32
      %mul3A_168 = arith.muli %min3A_158, %mul3A_167 : i32
      %add3A_169 = arith.constant 16 : i32
      %add3A_170 = arith.addi %add3A_169, %mul3A_168 : i32
      %mul3A_171 = arith.constant 512 : i32
      %mul3A_172 = arith.muli %max3A_162, %mul3A_171 : i32
      %add3A_173 = arith.constant 16 : i32
      %add3A_174 = arith.addi %add3A_173, %mul3A_172 : i32
      %mul3A_175 = arith.constant 512 : i32
      %mul3A_176 = arith.muli %add3A_153, %mul3A_175 : i32
      %mul3A_177 = arith.constant 512 : i32
      %mul3A_178 = arith.muli %scan3A_151, %mul3A_177 : i32
      %scan3A_179 = arith.constant 0 : i32
      %scan3A_180 = arith.constant 0 : i32
      %scan3A_181 = arith.constant 32 : i32
      %scan3A_182 = arith.addi %scan3A_180, %scan3A_181 : i32
      %scan3A_183 = arith.constant 1 : i32
      %scan3A_184 = scf.for %scan3A_187 = %scan3A_180 to %scan3A_182 step %scan3A_183 iter_args(%scan3A_188 = %scan3A_179) -> (i32)  : i32 {
        %mul3A_189 = arith.constant 16 : i32
        %mul3A_190 = arith.muli %scan3A_187, %mul3A_189 : i32
        %add3A_191 = vector.broadcast %mul3A_190 : i32 to vector<16xi32>
        %add3A_192 = arith.addi %iota3A, %add3A_191 : vector<16xi32>
        %add3A_193 = vector.broadcast %mul3A_176 : i32 to vector<16xi32>
        %add3A_194 = arith.addi %add3A_193, %add3A_192 : vector<16xi32>
        %add3A_195 = vector.broadcast %mul3A_178 : i32 to vector<16xi32>
        %add3A_196 = arith.addi %add3A_195, %add3A_192 : vector<16xi32>
        %add3A_197 = arith.addi %add3A_170, %mul3A_190 : i32
        %get3A = arith.index_cast %add3A_197 : i32 to index
        %get3A_198 = tpu.vector_load %arg5[%get3A] {strides = array<i32>} : memref<9248xf32, #tpu.memory_space<vmem>>, vector<16xf32>,
        %add3A_199 = arith.addi %add3A_174, %mul3A_190 : i32
        %get3A_200 = arith.index_cast %add3A_199 : i32 to index
        %get3A_201 = tpu.vector_load %arg5[%get3A_200] {strides = array<i32>} : memref<9248xf32, #tpu.memory_space<vmem>>, vector<16xf32>,
        %add3A_202 = arith.addi %add3A_166, %mul3A_190 : i32
        %add3A_203 = arith.constant 1 : i32
        %add3A_204 = arith.addi %add3A_202, %add3A_203 : i32
        %get3A_205 = arith.index_cast %add3A_204 : i32 to index
        %get3A_206 = tpu.vector_load %arg5[%get3A_205] {strides = array<i32>} : memref<9248xf32, #tpu.memory_space<vmem>>, vector<16xf32>,
        %add3A_207 = arith.addi %add3A_166, %mul3A_190 : i32
        %sub3A_208 = arith.constant 1 : i32
        %sub3A_209 = arith.subi %add3A_207, %sub3A_208 : i32
        %get3A_210 = arith.index_cast %sub3A_209 : i32 to index
        %get3A_211 = tpu.vector_load %arg5[%get3A_210] {strides = array<i32>} : memref<9248xf32, #tpu.memory_space<vmem>>, vector<16xf32>,
        %lt3A = arith.constant 261632 : i32
        %lt3A_212 = vector.broadcast %lt3A : i32 to vector<16xi32>
        %lt3A_213 = arith.cmpi slt, %add3A_194, %lt3A_212 : vector<16xi32>
        %ge3A = arith.constant 512 : i32
        %ge3A_214 = vector.broadcast %ge3A : i32 to vector<16xi32>
        %ge3A_215 = arith.cmpi sge, %add3A_194, %ge3A_214 : vector<16xi32>
        %lt3A_216 = arith.constant 511 : i32
        %lt3A_217 = vector.broadcast %lt3A_216 : i32 to vector<16xi32>
        %lt3A_218 = arith.cmpi slt, %add3A_192, %lt3A_217 : vector<16xi32>
        %gt3A = arith.constant 0 : i32
        %gt3A_219 = vector.broadcast %gt3A : i32 to vector<16xi32>
        %gt3A_220 = arith.cmpi sgt, %add3A_192, %gt3A_219 : vector<16xi32>
        %mul3A_221 = arith.constant 4 : i32
        %mul3A_222 = vector.broadcast %mul3A_221 : i32 to vector<16xi32>
        %mul3A_223 = arith.muli %add3A_196, %mul3A_222 : vector<16xi32>
        %select_n3A = arith.select %lt3A_213, %get3A_198, %broadcast_in_dim3A_7 : vector<16xi1>, vector<16xf32>
        tpu.vector_store_idx %arg6[%mul3A_223], %select_n3A : memref<32768xf32, #tpu.memory_space<vmem>>[vector<16xi32>], vector<16xf32>,
        %add3A_224 = arith.constant 1 : i32
        %add3A_225 = vector.broadcast %add3A_224 : i32 to vector<16xi32>
        %add3A_226 = arith.addi %mul3A_223, %add3A_225 : vector<16xi32>
        %select_n3A_227 = arith.select %ge3A_215, %get3A_201, %broadcast_in_dim3A_7 : vector<16xi1>, vector<16xf32>
        tpu.vector_store_idx %arg6[%add3A_226], %select_n3A_227 : memref<32768xf32, #tpu.memory_space<vmem>>[vector<16xi32>], vector<16xf32>,
        %add3A_228 = arith.constant 2 : i32
        %add3A_229 = vector.broadcast %add3A_228 : i32 to vector<16xi32>
        %add3A_230 = arith.addi %mul3A_223, %add3A_229 : vector<16xi32>
        %select_n3A_231 = arith.select %lt3A_218, %get3A_206, %broadcast_in_dim3A_7 : vector<16xi1>, vector<16xf32>
        tpu.vector_store_idx %arg6[%add3A_230], %select_n3A_231 : memref<32768xf32, #tpu.memory_space<vmem>>[vector<16xi32>], vector<16xf32>,
        %add3A_232 = arith.constant 3 : i32
        %add3A_233 = vector.broadcast %add3A_232 : i32 to vector<16xi32>
        %add3A_234 = arith.addi %mul3A_223, %add3A_233 : vector<16xi32>
        %select_n3A_235 = arith.select %gt3A_220, %get3A_211, %broadcast_in_dim3A_7 : vector<16xi1>, vector<16xf32>
        tpu.vector_store_idx %arg6[%add3A_234], %select_n3A_235 : memref<32768xf32, #tpu.memory_space<vmem>>[vector<16xi32>], vector<16xf32>,
        %add3A_236 = arith.addi %mul3A_178, %mul3A_190 : i32
        %mul3A_237 = arith.constant 4 : i32
        %mul3A_238 = arith.muli %add3A_236, %mul3A_237 : i32
        %jit3A_239 = arith.constant 128 : i32
        %div3A = arith.divsi %mul3A_238, %jit3A_239 : i32
        %sign3A = arith.constant 0 : i32
        %sign3A_240 = arith.cmpi sgt, %mul3A_238, %sign3A : i32
        %sign3A_241 = arith.extui %sign3A_240 : i1 to i32
        %sign3A_242 = arith.constant 0 : i32
        %sign3A_243 = arith.cmpi slt, %mul3A_238, %sign3A_242 : i32
        %sign3A_244 = arith.extui %sign3A_243 : i1 to i32
        %sign3A_245 = arith.subi %sign3A_241, %sign3A_244 : i32
        %sign3A_246 = arith.constant 0 : i32
        %sign3A_247 = arith.cmpi sgt, %jit3A_239, %sign3A_246 : i32
        %sign3A_248 = arith.extui %sign3A_247 : i1 to i32
        %sign3A_249 = arith.constant 0 : i32
        %sign3A_250 = arith.cmpi slt, %jit3A_239, %sign3A_249 : i32
        %sign3A_251 = arith.extui %sign3A_250 : i1 to i32
        %sign3A_252 = arith.subi %sign3A_248, %sign3A_251 : i32
        %ne3A = arith.cmpi ne, %sign3A_245, %sign3A_252 : i32
        %rem3A = arith.remsi %mul3A_238, %jit3A_239 : i32
        %ne3A_253 = arith.constant 0 : i32
        %ne3A_254 = arith.cmpi ne, %rem3A, %ne3A_253 : i32
        %and3A = arith.andi %ne3A, %ne3A_254 : i1
        %sub3A_255 = arith.constant 1 : i32
        %sub3A_256 = arith.subi %div3A, %sub3A_255 : i32
        %select_n3A_257 = arith.select %and3A, %sub3A_256, %div3A : i32
        %mul3A_258 = arith.constant 128 : i32
        %mul3A_259 = arith.muli %select_n3A_257, %mul3A_258 : i32
        %add3A_260 = vector.broadcast %mul3A_259 : i32 to vector<16xi32>
        %add3A_261 = arith.addi %mul3A_223, %add3A_260 : vector<16xi32>
        %select_n3A_262 = arith.select %lt3A_213, %add3A_194, %broadcast_in_dim3A_9 : vector<16xi1>, vector<16xi32>
        tpu.vector_store_idx %arg7[%add3A_261], %select_n3A_262 : memref<65536xi32, #tpu.memory_space<vmem>>[vector<16xi32>], vector<16xi32>,
        %add3A_263 = arith.constant 1 : i32
        %add3A_264 = vector.broadcast %add3A_263 : i32 to vector<16xi32>
        %add3A_265 = arith.addi %add3A_261, %add3A_264 : vector<16xi32>
        %select_n3A_266 = arith.select %ge3A_215, %add3A_194, %broadcast_in_dim3A_9 : vector<16xi1>, vector<16xi32>
        tpu.vector_store_idx %arg7[%add3A_265], %select_n3A_266 : memref<65536xi32, #tpu.memory_space<vmem>>[vector<16xi32>], vector<16xi32>,
        %add3A_267 = arith.constant 2 : i32
        %add3A_268 = vector.broadcast %add3A_267 : i32 to vector<16xi32>
        %add3A_269 = arith.addi %add3A_261, %add3A_268 : vector<16xi32>
        %select_n3A_270 = arith.select %lt3A_218, %add3A_194, %broadcast_in_dim3A_9 : vector<16xi1>, vector<16xi32>
        tpu.vector_store_idx %arg7[%add3A_269], %select_n3A_270 : memref<65536xi32, #tpu.memory_space<vmem>>[vector<16xi32>], vector<16xi32>,
        %add3A_271 = arith.constant 3 : i32
        %add3A_272 = vector.broadcast %add3A_271 : i32 to vector<16xi32>
        %add3A_273 = arith.addi %add3A_261, %add3A_272 : vector<16xi32>
        %select_n3A_274 = arith.select %gt3A_220, %add3A_194, %broadcast_in_dim3A_9 : vector<16xi1>, vector<16xi32>
        tpu.vector_store_idx %arg7[%add3A_273], %select_n3A_274 : memref<65536xi32, #tpu.memory_space<vmem>>[vector<16xi32>], vector<16xi32>,
        %add3A_275 = arith.constant 128 : i32
        %add3A_276 = vector.broadcast %add3A_275 : i32 to vector<16xi32>
        %add3A_277 = arith.addi %add3A_261, %add3A_276 : vector<16xi32>
        %add3A_278 = arith.constant 512 : i32
        %add3A_279 = vector.broadcast %add3A_278 : i32 to vector<16xi32>
        %add3A_280 = arith.addi %add3A_194, %add3A_279 : vector<16xi32>
        %select_n3A_281 = arith.select %lt3A_213, %add3A_280, %broadcast_in_dim3A_9 : vector<16xi1>, vector<16xi32>
        tpu.vector_store_idx %arg7[%add3A_277], %select_n3A_281 : memref<65536xi32, #tpu.memory_space<vmem>>[vector<16xi32>], vector<16xi32>,
        %add3A_282 = arith.constant 1 : i32
        %add3A_283 = vector.broadcast %add3A_282 : i32 to vector<16xi32>
        %add3A_284 = arith.addi %add3A_277, %add3A_283 : vector<16xi32>
        %sub3A_285 = arith.constant 512 : i32
        %sub3A_286 = vector.broadcast %sub3A_285 : i32 to vector<16xi32>
        %sub3A_287 = arith.subi %add3A_194, %sub3A_286 : vector<16xi32>
        %select_n3A_288 = arith.select %ge3A_215, %sub3A_287, %broadcast_in_dim3A_9 : vector<16xi1>, vector<16xi32>
        tpu.vector_store_idx %arg7[%add3A_284], %select_n3A_288 : memref<65536xi32, #tpu.memory_space<vmem>>[vector<16xi32>], vector<16xi32>,
        %add3A_289 = arith.constant 2 : i32
        %add3A_290 = vector.broadcast %add3A_289 : i32 to vector<16xi32>
        %add3A_291 = arith.addi %add3A_277, %add3A_290 : vector<16xi32>
        %add3A_292 = arith.constant 1 : i32
        %add3A_293 = vector.broadcast %add3A_292 : i32 to vector<16xi32>
        %add3A_294 = arith.addi %add3A_194, %add3A_293 : vector<16xi32>
        %select_n3A_295 = arith.select %lt3A_218, %add3A_294, %broadcast_in_dim3A_9 : vector<16xi1>, vector<16xi32>
        tpu.vector_store_idx %arg7[%add3A_291], %select_n3A_295 : memref<65536xi32, #tpu.memory_space<vmem>>[vector<16xi32>], vector<16xi32>,
        %add3A_296 = arith.constant 3 : i32
        %add3A_297 = vector.broadcast %add3A_296 : i32 to vector<16xi32>
        %add3A_298 = arith.addi %add3A_277, %add3A_297 : vector<16xi32>
        %sub3A_299 = arith.constant 1 : i32
        %sub3A_300 = vector.broadcast %sub3A_299 : i32 to vector<16xi32>
        %sub3A_301 = arith.subi %add3A_194, %sub3A_300 : vector<16xi32>
        %select_n3A_302 = arith.select %gt3A_220, %sub3A_301, %broadcast_in_dim3A_9 : vector<16xi1>, vector<16xi32>
        tpu.vector_store_idx %arg7[%add3A_298], %select_n3A_302 : memref<65536xi32, #tpu.memory_space<vmem>>[vector<16xi32>], vector<16xi32>,
        %scan3A_303 = arith.constant 0 : i32
        scf.yield %scan3A_303 : i32
      }
      %scan3A_185 = arith.constant 32 : i32
      %scan3A_186 = arith.constant 0 : i32
      scf.yield %scan3A_186 : i32
    }
    %scan3A_19 = arith.constant 4 : i32
    %add3A_20 = arith.constant 0 : i32
    %add3A_21 = arith.addi %mul3A_11, %add3A_20 : i32
    %add3A_22 = arith.constant 0 : i32
    %add3A_23 = arith.addi %mul3A_13, %add3A_22 : i32
    %dma_start3A = arith.constant 0 : i32
    %dma_start3A_24 = tpu.memref_slice %arg6[%dma_start3A] : memref<32768xf32, #tpu.memory_space<vmem>> -> memref<8192xf32, #tpu.memory_space<vmem>>
    %dma_start3A_25 = tpu.memref_slice %arg3[%add3A_21] : memref<1048576xf32, #tpu.memory_space<hbm>> -> memref<8192xf32, #tpu.memory_space<hbm>>
    %dma_start3A_26 = tpu.memref_slice %arg3[%add3A_21] : memref<1048576xf32, #tpu.memory_space<hbm>> -> memref<8192xf32, #tpu.memory_space<hbm>>
    %dma_start3A_27 = arith.constant 0 : i32
    %dma_start3A_28 = tpu.memref_slice %arg6[%dma_start3A_27] : memref<32768xf32, #tpu.memory_space<vmem>> -> memref<8192xf32, #tpu.memory_space<vmem>>
    tpu.enqueue_dma source(%dma_start3A_28 : memref<8192xf32, #tpu.memory_space<vmem>>) target(%dma_start3A_26 : memref<8192xf32, #tpu.memory_space<hbm>>) target_semaphore(%arg8 : memref<!tpu.dma_semaphore, #tpu.memory_space<semaphore_mem>>)
    %dma_start3A_29 = arith.constant 0 : i32
    %dma_start3A_30 = tpu.memref_slice %arg7[%dma_start3A_29] : memref<65536xi32, #tpu.memory_space<vmem>> -> memref<16384xi32, #tpu.memory_space<vmem>>
    %dma_start3A_31 = tpu.memref_slice %arg4[%add3A_23] : memref<2097152xi32, #tpu.memory_space<hbm>> -> memref<16384xi32, #tpu.memory_space<hbm>>
    %dma_start3A_32 = tpu.memref_slice %arg4[%add3A_23] : memref<2097152xi32, #tpu.memory_space<hbm>> -> memref<16384xi32, #tpu.memory_space<hbm>>
    %dma_start3A_33 = arith.constant 0 : i32
    %dma_start3A_34 = tpu.memref_slice %arg7[%dma_start3A_33] : memref<65536xi32, #tpu.memory_space<vmem>> -> memref<16384xi32, #tpu.memory_space<vmem>>
    tpu.enqueue_dma source(%dma_start3A_34 : memref<16384xi32, #tpu.memory_space<vmem>>) target(%dma_start3A_32 : memref<16384xi32, #tpu.memory_space<hbm>>) target_semaphore(%arg8 : memref<!tpu.dma_semaphore, #tpu.memory_space<semaphore_mem>>)
    %scan3A_35 = arith.constant 0 : i32
    %scan3A_36 = arith.constant 4 : i32
    %scan3A_37 = arith.constant 4 : i32
    %scan3A_38 = arith.addi %scan3A_36, %scan3A_37 : i32
    %scan3A_39 = arith.constant 1 : i32
    %scan3A_40 = scf.for %scan3A_151 = %scan3A_36 to %scan3A_38 step %scan3A_39 iter_args(%scan3A_152 = %scan3A_35) -> (i32)  : i32 {
      %add3A_153 = arith.addi %mul3A_2, %scan3A_151 : i32
      %sub3A_154 = arith.subi %add3A_153, %min3A : i32
      %add3A_155 = arith.constant 1 : i32
      %add3A_156 = arith.addi %sub3A_154, %add3A_155 : i32
      %min3A_157 = arith.constant 17 : i32
      %min3A_158 = arith.minsi %add3A_156, %min3A_157 : i32
      %sub3A_159 = arith.constant 1 : i32
      %sub3A_160 = arith.subi %sub3A_154, %sub3A_159 : i32
      %max3A_161 = arith.constant 0 : i32
      %max3A_162 = arith.maxsi %sub3A_160, %max3A_161 : i32
      %mul3A_163 = arith.constant 512 : i32
      %mul3A_164 = arith.muli %sub3A_154, %mul3A_163 : i32
      %add3A_165 = arith.constant 16 : i32
      %add3A_166 = arith.addi %add3A_165, %mul3A_164 : i32
      %mul3A_167 = arith.constant 512 : i32
      %mul3A_168 = arith.muli %min3A_158, %mul3A_167 : i32
      %add3A_169 = arith.constant 16 : i32
      %add3A_170 = arith.addi %add3A_169, %mul3A_168 : i32
      %mul3A_171 = arith.constant 512 : i32
      %mul3A_172 = arith.muli %max3A_162, %mul3A_171 : i32
      %add3A_173 = arith.constant 16 : i32
      %add3A_174 = arith.addi %add3A_173, %mul3A_172 : i32
      %mul3A_175 = arith.constant 512 : i32
      %mul3A_176 = arith.muli %add3A_153, %mul3A_175 : i32
      %mul3A_177 = arith.constant 512 : i32
      %mul3A_178 = arith.muli %scan3A_151, %mul3A_177 : i32
      %scan3A_179 = arith.constant 0 : i32
      %scan3A_180 = arith.constant 0 : i32
      %scan3A_181 = arith.constant 32 : i32
      %scan3A_182 = arith.addi %scan3A_180, %scan3A_181 : i32
      %scan3A_183 = arith.constant 1 : i32
      %scan3A_184 = scf.for %scan3A_187 = %scan3A_180 to %scan3A_182 step %scan3A_183 iter_args(%scan3A_188 = %scan3A_179) -> (i32)  : i32 {
        %mul3A_189 = arith.constant 16 : i32
        %mul3A_190 = arith.muli %scan3A_187, %mul3A_189 : i32
        %add3A_191 = vector.broadcast %mul3A_190 : i32 to vector<16xi32>
        %add3A_192 = arith.addi %iota3A, %add3A_191 : vector<16xi32>
        %add3A_193 = vector.broadcast %mul3A_176 : i32 to vector<16xi32>
        %add3A_194 = arith.addi %add3A_193, %add3A_192 : vector<16xi32>
        %add3A_195 = vector.broadcast %mul3A_178 : i32 to vector<16xi32>
        %add3A_196 = arith.addi %add3A_195, %add3A_192 : vector<16xi32>
        %add3A_197 = arith.addi %add3A_170, %mul3A_190 : i32
        %get3A = arith.index_cast %add3A_197 : i32 to index
        %get3A_198 = tpu.vector_load %arg5[%get3A] {strides = array<i32>} : memref<9248xf32, #tpu.memory_space<vmem>>, vector<16xf32>,
        %add3A_199 = arith.addi %add3A_174, %mul3A_190 : i32
        %get3A_200 = arith.index_cast %add3A_199 : i32 to index
        %get3A_201 = tpu.vector_load %arg5[%get3A_200] {strides = array<i32>} : memref<9248xf32, #tpu.memory_space<vmem>>, vector<16xf32>,
        %add3A_202 = arith.addi %add3A_166, %mul3A_190 : i32
        %add3A_203 = arith.constant 1 : i32
        %add3A_204 = arith.addi %add3A_202, %add3A_203 : i32
        %get3A_205 = arith.index_cast %add3A_204 : i32 to index
        %get3A_206 = tpu.vector_load %arg5[%get3A_205] {strides = array<i32>} : memref<9248xf32, #tpu.memory_space<vmem>>, vector<16xf32>,
        %add3A_207 = arith.addi %add3A_166, %mul3A_190 : i32
        %sub3A_208 = arith.constant 1 : i32
        %sub3A_209 = arith.subi %add3A_207, %sub3A_208 : i32
        %get3A_210 = arith.index_cast %sub3A_209 : i32 to index
        %get3A_211 = tpu.vector_load %arg5[%get3A_210] {strides = array<i32>} : memref<9248xf32, #tpu.memory_space<vmem>>, vector<16xf32>,
        %lt3A = arith.constant 261632 : i32
        %lt3A_212 = vector.broadcast %lt3A : i32 to vector<16xi32>
        %lt3A_213 = arith.cmpi slt, %add3A_194, %lt3A_212 : vector<16xi32>
        %ge3A = arith.constant 512 : i32
        %ge3A_214 = vector.broadcast %ge3A : i32 to vector<16xi32>
        %ge3A_215 = arith.cmpi sge, %add3A_194, %ge3A_214 : vector<16xi32>
        %lt3A_216 = arith.constant 511 : i32
        %lt3A_217 = vector.broadcast %lt3A_216 : i32 to vector<16xi32>
        %lt3A_218 = arith.cmpi slt, %add3A_192, %lt3A_217 : vector<16xi32>
        %gt3A = arith.constant 0 : i32
        %gt3A_219 = vector.broadcast %gt3A : i32 to vector<16xi32>
        %gt3A_220 = arith.cmpi sgt, %add3A_192, %gt3A_219 : vector<16xi32>
        %mul3A_221 = arith.constant 4 : i32
        %mul3A_222 = vector.broadcast %mul3A_221 : i32 to vector<16xi32>
        %mul3A_223 = arith.muli %add3A_196, %mul3A_222 : vector<16xi32>
        %select_n3A = arith.select %lt3A_213, %get3A_198, %broadcast_in_dim3A_7 : vector<16xi1>, vector<16xf32>
        tpu.vector_store_idx %arg6[%mul3A_223], %select_n3A : memref<32768xf32, #tpu.memory_space<vmem>>[vector<16xi32>], vector<16xf32>,
        %add3A_224 = arith.constant 1 : i32
        %add3A_225 = vector.broadcast %add3A_224 : i32 to vector<16xi32>
        %add3A_226 = arith.addi %mul3A_223, %add3A_225 : vector<16xi32>
        %select_n3A_227 = arith.select %ge3A_215, %get3A_201, %broadcast_in_dim3A_7 : vector<16xi1>, vector<16xf32>
        tpu.vector_store_idx %arg6[%add3A_226], %select_n3A_227 : memref<32768xf32, #tpu.memory_space<vmem>>[vector<16xi32>], vector<16xf32>,
        %add3A_228 = arith.constant 2 : i32
        %add3A_229 = vector.broadcast %add3A_228 : i32 to vector<16xi32>
        %add3A_230 = arith.addi %mul3A_223, %add3A_229 : vector<16xi32>
        %select_n3A_231 = arith.select %lt3A_218, %get3A_206, %broadcast_in_dim3A_7 : vector<16xi1>, vector<16xf32>
        tpu.vector_store_idx %arg6[%add3A_230], %select_n3A_231 : memref<32768xf32, #tpu.memory_space<vmem>>[vector<16xi32>], vector<16xf32>,
        %add3A_232 = arith.constant 3 : i32
        %add3A_233 = vector.broadcast %add3A_232 : i32 to vector<16xi32>
        %add3A_234 = arith.addi %mul3A_223, %add3A_233 : vector<16xi32>
        %select_n3A_235 = arith.select %gt3A_220, %get3A_211, %broadcast_in_dim3A_7 : vector<16xi1>, vector<16xf32>
        tpu.vector_store_idx %arg6[%add3A_234], %select_n3A_235 : memref<32768xf32, #tpu.memory_space<vmem>>[vector<16xi32>], vector<16xf32>,
        %add3A_236 = arith.addi %mul3A_178, %mul3A_190 : i32
        %mul3A_237 = arith.constant 4 : i32
        %mul3A_238 = arith.muli %add3A_236, %mul3A_237 : i32
        %jit3A_239 = arith.constant 128 : i32
        %div3A = arith.divsi %mul3A_238, %jit3A_239 : i32
        %sign3A = arith.constant 0 : i32
        %sign3A_240 = arith.cmpi sgt, %mul3A_238, %sign3A : i32
        %sign3A_241 = arith.extui %sign3A_240 : i1 to i32
        %sign3A_242 = arith.constant 0 : i32
        %sign3A_243 = arith.cmpi slt, %mul3A_238, %sign3A_242 : i32
        %sign3A_244 = arith.extui %sign3A_243 : i1 to i32
        %sign3A_245 = arith.subi %sign3A_241, %sign3A_244 : i32
        %sign3A_246 = arith.constant 0 : i32
        %sign3A_247 = arith.cmpi sgt, %jit3A_239, %sign3A_246 : i32
        %sign3A_248 = arith.extui %sign3A_247 : i1 to i32
        %sign3A_249 = arith.constant 0 : i32
        %sign3A_250 = arith.cmpi slt, %jit3A_239, %sign3A_249 : i32
        %sign3A_251 = arith.extui %sign3A_250 : i1 to i32
        %sign3A_252 = arith.subi %sign3A_248, %sign3A_251 : i32
        %ne3A = arith.cmpi ne, %sign3A_245, %sign3A_252 : i32
        %rem3A = arith.remsi %mul3A_238, %jit3A_239 : i32
        %ne3A_253 = arith.constant 0 : i32
        %ne3A_254 = arith.cmpi ne, %rem3A, %ne3A_253 : i32
        %and3A = arith.andi %ne3A, %ne3A_254 : i1
        %sub3A_255 = arith.constant 1 : i32
        %sub3A_256 = arith.subi %div3A, %sub3A_255 : i32
        %select_n3A_257 = arith.select %and3A, %sub3A_256, %div3A : i32
        %mul3A_258 = arith.constant 128 : i32
        %mul3A_259 = arith.muli %select_n3A_257, %mul3A_258 : i32
        %add3A_260 = vector.broadcast %mul3A_259 : i32 to vector<16xi32>
        %add3A_261 = arith.addi %mul3A_223, %add3A_260 : vector<16xi32>
        %select_n3A_262 = arith.select %lt3A_213, %add3A_194, %broadcast_in_dim3A_9 : vector<16xi1>, vector<16xi32>
        tpu.vector_store_idx %arg7[%add3A_261], %select_n3A_262 : memref<65536xi32, #tpu.memory_space<vmem>>[vector<16xi32>], vector<16xi32>,
        %add3A_263 = arith.constant 1 : i32
        %add3A_264 = vector.broadcast %add3A_263 : i32 to vector<16xi32>
        %add3A_265 = arith.addi %add3A_261, %add3A_264 : vector<16xi32>
        %select_n3A_266 = arith.select %ge3A_215, %add3A_194, %broadcast_in_dim3A_9 : vector<16xi1>, vector<16xi32>
        tpu.vector_store_idx %arg7[%add3A_265], %select_n3A_266 : memref<65536xi32, #tpu.memory_space<vmem>>[vector<16xi32>], vector<16xi32>,
        %add3A_267 = arith.constant 2 : i32
        %add3A_268 = vector.broadcast %add3A_267 : i32 to vector<16xi32>
        %add3A_269 = arith.addi %add3A_261, %add3A_268 : vector<16xi32>
        %select_n3A_270 = arith.select %lt3A_218, %add3A_194, %broadcast_in_dim3A_9 : vector<16xi1>, vector<16xi32>
        tpu.vector_store_idx %arg7[%add3A_269], %select_n3A_270 : memref<65536xi32, #tpu.memory_space<vmem>>[vector<16xi32>], vector<16xi32>,
        %add3A_271 = arith.constant 3 : i32
        %add3A_272 = vector.broadcast %add3A_271 : i32 to vector<16xi32>
        %add3A_273 = arith.addi %add3A_261, %add3A_272 : vector<16xi32>
        %select_n3A_274 = arith.select %gt3A_220, %add3A_194, %broadcast_in_dim3A_9 : vector<16xi1>, vector<16xi32>
        tpu.vector_store_idx %arg7[%add3A_273], %select_n3A_274 : memref<65536xi32, #tpu.memory_space<vmem>>[vector<16xi32>], vector<16xi32>,
        %add3A_275 = arith.constant 128 : i32
        %add3A_276 = vector.broadcast %add3A_275 : i32 to vector<16xi32>
        %add3A_277 = arith.addi %add3A_261, %add3A_276 : vector<16xi32>
        %add3A_278 = arith.constant 512 : i32
        %add3A_279 = vector.broadcast %add3A_278 : i32 to vector<16xi32>
        %add3A_280 = arith.addi %add3A_194, %add3A_279 : vector<16xi32>
        %select_n3A_281 = arith.select %lt3A_213, %add3A_280, %broadcast_in_dim3A_9 : vector<16xi1>, vector<16xi32>
        tpu.vector_store_idx %arg7[%add3A_277], %select_n3A_281 : memref<65536xi32, #tpu.memory_space<vmem>>[vector<16xi32>], vector<16xi32>,
        %add3A_282 = arith.constant 1 : i32
        %add3A_283 = vector.broadcast %add3A_282 : i32 to vector<16xi32>
        %add3A_284 = arith.addi %add3A_277, %add3A_283 : vector<16xi32>
        %sub3A_285 = arith.constant 512 : i32
        %sub3A_286 = vector.broadcast %sub3A_285 : i32 to vector<16xi32>
        %sub3A_287 = arith.subi %add3A_194, %sub3A_286 : vector<16xi32>
        %select_n3A_288 = arith.select %ge3A_215, %sub3A_287, %broadcast_in_dim3A_9 : vector<16xi1>, vector<16xi32>
        tpu.vector_store_idx %arg7[%add3A_284], %select_n3A_288 : memref<65536xi32, #tpu.memory_space<vmem>>[vector<16xi32>], vector<16xi32>,
        %add3A_289 = arith.constant 2 : i32
        %add3A_290 = vector.broadcast %add3A_289 : i32 to vector<16xi32>
        %add3A_291 = arith.addi %add3A_277, %add3A_290 : vector<16xi32>
        %add3A_292 = arith.constant 1 : i32
        %add3A_293 = vector.broadcast %add3A_292 : i32 to vector<16xi32>
        %add3A_294 = arith.addi %add3A_194, %add3A_293 : vector<16xi32>
        %select_n3A_295 = arith.select %lt3A_218, %add3A_294, %broadcast_in_dim3A_9 : vector<16xi1>, vector<16xi32>
        tpu.vector_store_idx %arg7[%add3A_291], %select_n3A_295 : memref<65536xi32, #tpu.memory_space<vmem>>[vector<16xi32>], vector<16xi32>,
        %add3A_296 = arith.constant 3 : i32
        %add3A_297 = vector.broadcast %add3A_296 : i32 to vector<16xi32>
        %add3A_298 = arith.addi %add3A_277, %add3A_297 : vector<16xi32>
        %sub3A_299 = arith.constant 1 : i32
        %sub3A_300 = vector.broadcast %sub3A_299 : i32 to vector<16xi32>
        %sub3A_301 = arith.subi %add3A_194, %sub3A_300 : vector<16xi32>
        %select_n3A_302 = arith.select %gt3A_220, %sub3A_301, %broadcast_in_dim3A_9 : vector<16xi1>, vector<16xi32>
        tpu.vector_store_idx %arg7[%add3A_298], %select_n3A_302 : memref<65536xi32, #tpu.memory_space<vmem>>[vector<16xi32>], vector<16xi32>,
        %scan3A_303 = arith.constant 0 : i32
        scf.yield %scan3A_303 : i32
      }
      %scan3A_185 = arith.constant 32 : i32
      %scan3A_186 = arith.constant 0 : i32
      scf.yield %scan3A_186 : i32
    }
    %scan3A_41 = arith.constant 4 : i32
    %add3A_42 = arith.constant 8192 : i32
    %add3A_43 = arith.addi %mul3A_11, %add3A_42 : i32
    %add3A_44 = arith.constant 16384 : i32
    %add3A_45 = arith.addi %mul3A_13, %add3A_44 : i32
    %dma_start3A_46 = arith.constant 8192 : i32
    %dma_start3A_47 = tpu.memref_slice %arg6[%dma_start3A_46] : memref<32768xf32, #tpu.memory_space<vmem>> -> memref<8192xf32, #tpu.memory_space<vmem>>
    %dma_start3A_48 = tpu.memref_slice %arg3[%add3A_43] : memref<1048576xf32, #tpu.memory_space<hbm>> -> memref<8192xf32, #tpu.memory_space<hbm>>
    %dma_start3A_49 = tpu.memref_slice %arg3[%add3A_43] : memref<1048576xf32, #tpu.memory_space<hbm>> -> memref<8192xf32, #tpu.memory_space<hbm>>
    %dma_start3A_50 = arith.constant 8192 : i32
    %dma_start3A_51 = tpu.memref_slice %arg6[%dma_start3A_50] : memref<32768xf32, #tpu.memory_space<vmem>> -> memref<8192xf32, #tpu.memory_space<vmem>>
    tpu.enqueue_dma source(%dma_start3A_51 : memref<8192xf32, #tpu.memory_space<vmem>>) target(%dma_start3A_49 : memref<8192xf32, #tpu.memory_space<hbm>>) target_semaphore(%arg8 : memref<!tpu.dma_semaphore, #tpu.memory_space<semaphore_mem>>)
    %dma_start3A_52 = arith.constant 16384 : i32
    %dma_start3A_53 = tpu.memref_slice %arg7[%dma_start3A_52] : memref<65536xi32, #tpu.memory_space<vmem>> -> memref<16384xi32, #tpu.memory_space<vmem>>
    %dma_start3A_54 = tpu.memref_slice %arg4[%add3A_45] : memref<2097152xi32, #tpu.memory_space<hbm>> -> memref<16384xi32, #tpu.memory_space<hbm>>
    %dma_start3A_55 = tpu.memref_slice %arg4[%add3A_45] : memref<2097152xi32, #tpu.memory_space<hbm>> -> memref<16384xi32, #tpu.memory_space<hbm>>
    %dma_start3A_56 = arith.constant 16384 : i32
    %dma_start3A_57 = tpu.memref_slice %arg7[%dma_start3A_56] : memref<65536xi32, #tpu.memory_space<vmem>> -> memref<16384xi32, #tpu.memory_space<vmem>>
    tpu.enqueue_dma source(%dma_start3A_57 : memref<16384xi32, #tpu.memory_space<vmem>>) target(%dma_start3A_55 : memref<16384xi32, #tpu.memory_space<hbm>>) target_semaphore(%arg8 : memref<!tpu.dma_semaphore, #tpu.memory_space<semaphore_mem>>)
    %scan3A_58 = arith.constant 0 : i32
    %scan3A_59 = arith.constant 8 : i32
    %scan3A_60 = arith.constant 4 : i32
    %scan3A_61 = arith.addi %scan3A_59, %scan3A_60 : i32
    %scan3A_62 = arith.constant 1 : i32
    %scan3A_63 = scf.for %scan3A_151 = %scan3A_59 to %scan3A_61 step %scan3A_62 iter_args(%scan3A_152 = %scan3A_58) -> (i32)  : i32 {
      %add3A_153 = arith.addi %mul3A_2, %scan3A_151 : i32
      %sub3A_154 = arith.subi %add3A_153, %min3A : i32
      %add3A_155 = arith.constant 1 : i32
      %add3A_156 = arith.addi %sub3A_154, %add3A_155 : i32
      %min3A_157 = arith.constant 17 : i32
      %min3A_158 = arith.minsi %add3A_156, %min3A_157 : i32
      %sub3A_159 = arith.constant 1 : i32
      %sub3A_160 = arith.subi %sub3A_154, %sub3A_159 : i32
      %max3A_161 = arith.constant 0 : i32
      %max3A_162 = arith.maxsi %sub3A_160, %max3A_161 : i32
      %mul3A_163 = arith.constant 512 : i32
      %mul3A_164 = arith.muli %sub3A_154, %mul3A_163 : i32
      %add3A_165 = arith.constant 16 : i32
      %add3A_166 = arith.addi %add3A_165, %mul3A_164 : i32
      %mul3A_167 = arith.constant 512 : i32
      %mul3A_168 = arith.muli %min3A_158, %mul3A_167 : i32
      %add3A_169 = arith.constant 16 : i32
      %add3A_170 = arith.addi %add3A_169, %mul3A_168 : i32
      %mul3A_171 = arith.constant 512 : i32
      %mul3A_172 = arith.muli %max3A_162, %mul3A_171 : i32
      %add3A_173 = arith.constant 16 : i32
      %add3A_174 = arith.addi %add3A_173, %mul3A_172 : i32
      %mul3A_175 = arith.constant 512 : i32
      %mul3A_176 = arith.muli %add3A_153, %mul3A_175 : i32
      %mul3A_177 = arith.constant 512 : i32
      %mul3A_178 = arith.muli %scan3A_151, %mul3A_177 : i32
      %scan3A_179 = arith.constant 0 : i32
      %scan3A_180 = arith.constant 0 : i32
      %scan3A_181 = arith.constant 32 : i32
      %scan3A_182 = arith.addi %scan3A_180, %scan3A_181 : i32
      %scan3A_183 = arith.constant 1 : i32
      %scan3A_184 = scf.for %scan3A_187 = %scan3A_180 to %scan3A_182 step %scan3A_183 iter_args(%scan3A_188 = %scan3A_179) -> (i32)  : i32 {
        %mul3A_189 = arith.constant 16 : i32
        %mul3A_190 = arith.muli %scan3A_187, %mul3A_189 : i32
        %add3A_191 = vector.broadcast %mul3A_190 : i32 to vector<16xi32>
        %add3A_192 = arith.addi %iota3A, %add3A_191 : vector<16xi32>
        %add3A_193 = vector.broadcast %mul3A_176 : i32 to vector<16xi32>
        %add3A_194 = arith.addi %add3A_193, %add3A_192 : vector<16xi32>
        %add3A_195 = vector.broadcast %mul3A_178 : i32 to vector<16xi32>
        %add3A_196 = arith.addi %add3A_195, %add3A_192 : vector<16xi32>
        %add3A_197 = arith.addi %add3A_170, %mul3A_190 : i32
        %get3A = arith.index_cast %add3A_197 : i32 to index
        %get3A_198 = tpu.vector_load %arg5[%get3A] {strides = array<i32>} : memref<9248xf32, #tpu.memory_space<vmem>>, vector<16xf32>,
        %add3A_199 = arith.addi %add3A_174, %mul3A_190 : i32
        %get3A_200 = arith.index_cast %add3A_199 : i32 to index
        %get3A_201 = tpu.vector_load %arg5[%get3A_200] {strides = array<i32>} : memref<9248xf32, #tpu.memory_space<vmem>>, vector<16xf32>,
        %add3A_202 = arith.addi %add3A_166, %mul3A_190 : i32
        %add3A_203 = arith.constant 1 : i32
        %add3A_204 = arith.addi %add3A_202, %add3A_203 : i32
        %get3A_205 = arith.index_cast %add3A_204 : i32 to index
        %get3A_206 = tpu.vector_load %arg5[%get3A_205] {strides = array<i32>} : memref<9248xf32, #tpu.memory_space<vmem>>, vector<16xf32>,
        %add3A_207 = arith.addi %add3A_166, %mul3A_190 : i32
        %sub3A_208 = arith.constant 1 : i32
        %sub3A_209 = arith.subi %add3A_207, %sub3A_208 : i32
        %get3A_210 = arith.index_cast %sub3A_209 : i32 to index
        %get3A_211 = tpu.vector_load %arg5[%get3A_210] {strides = array<i32>} : memref<9248xf32, #tpu.memory_space<vmem>>, vector<16xf32>,
        %lt3A = arith.constant 261632 : i32
        %lt3A_212 = vector.broadcast %lt3A : i32 to vector<16xi32>
        %lt3A_213 = arith.cmpi slt, %add3A_194, %lt3A_212 : vector<16xi32>
        %ge3A = arith.constant 512 : i32
        %ge3A_214 = vector.broadcast %ge3A : i32 to vector<16xi32>
        %ge3A_215 = arith.cmpi sge, %add3A_194, %ge3A_214 : vector<16xi32>
        %lt3A_216 = arith.constant 511 : i32
        %lt3A_217 = vector.broadcast %lt3A_216 : i32 to vector<16xi32>
        %lt3A_218 = arith.cmpi slt, %add3A_192, %lt3A_217 : vector<16xi32>
        %gt3A = arith.constant 0 : i32
        %gt3A_219 = vector.broadcast %gt3A : i32 to vector<16xi32>
        %gt3A_220 = arith.cmpi sgt, %add3A_192, %gt3A_219 : vector<16xi32>
        %mul3A_221 = arith.constant 4 : i32
        %mul3A_222 = vector.broadcast %mul3A_221 : i32 to vector<16xi32>
        %mul3A_223 = arith.muli %add3A_196, %mul3A_222 : vector<16xi32>
        %select_n3A = arith.select %lt3A_213, %get3A_198, %broadcast_in_dim3A_7 : vector<16xi1>, vector<16xf32>
        tpu.vector_store_idx %arg6[%mul3A_223], %select_n3A : memref<32768xf32, #tpu.memory_space<vmem>>[vector<16xi32>], vector<16xf32>,
        %add3A_224 = arith.constant 1 : i32
        %add3A_225 = vector.broadcast %add3A_224 : i32 to vector<16xi32>
        %add3A_226 = arith.addi %mul3A_223, %add3A_225 : vector<16xi32>
        %select_n3A_227 = arith.select %ge3A_215, %get3A_201, %broadcast_in_dim3A_7 : vector<16xi1>, vector<16xf32>
        tpu.vector_store_idx %arg6[%add3A_226], %select_n3A_227 : memref<32768xf32, #tpu.memory_space<vmem>>[vector<16xi32>], vector<16xf32>,
        %add3A_228 = arith.constant 2 : i32
        %add3A_229 = vector.broadcast %add3A_228 : i32 to vector<16xi32>
        %add3A_230 = arith.addi %mul3A_223, %add3A_229 : vector<16xi32>
        %select_n3A_231 = arith.select %lt3A_218, %get3A_206, %broadcast_in_dim3A_7 : vector<16xi1>, vector<16xf32>
        tpu.vector_store_idx %arg6[%add3A_230], %select_n3A_231 : memref<32768xf32, #tpu.memory_space<vmem>>[vector<16xi32>], vector<16xf32>,
        %add3A_232 = arith.constant 3 : i32
        %add3A_233 = vector.broadcast %add3A_232 : i32 to vector<16xi32>
        %add3A_234 = arith.addi %mul3A_223, %add3A_233 : vector<16xi32>
        %select_n3A_235 = arith.select %gt3A_220, %get3A_211, %broadcast_in_dim3A_7 : vector<16xi1>, vector<16xf32>
        tpu.vector_store_idx %arg6[%add3A_234], %select_n3A_235 : memref<32768xf32, #tpu.memory_space<vmem>>[vector<16xi32>], vector<16xf32>,
        %add3A_236 = arith.addi %mul3A_178, %mul3A_190 : i32
        %mul3A_237 = arith.constant 4 : i32
        %mul3A_238 = arith.muli %add3A_236, %mul3A_237 : i32
        %jit3A_239 = arith.constant 128 : i32
        %div3A = arith.divsi %mul3A_238, %jit3A_239 : i32
        %sign3A = arith.constant 0 : i32
        %sign3A_240 = arith.cmpi sgt, %mul3A_238, %sign3A : i32
        %sign3A_241 = arith.extui %sign3A_240 : i1 to i32
        %sign3A_242 = arith.constant 0 : i32
        %sign3A_243 = arith.cmpi slt, %mul3A_238, %sign3A_242 : i32
        %sign3A_244 = arith.extui %sign3A_243 : i1 to i32
        %sign3A_245 = arith.subi %sign3A_241, %sign3A_244 : i32
        %sign3A_246 = arith.constant 0 : i32
        %sign3A_247 = arith.cmpi sgt, %jit3A_239, %sign3A_246 : i32
        %sign3A_248 = arith.extui %sign3A_247 : i1 to i32
        %sign3A_249 = arith.constant 0 : i32
        %sign3A_250 = arith.cmpi slt, %jit3A_239, %sign3A_249 : i32
        %sign3A_251 = arith.extui %sign3A_250 : i1 to i32
        %sign3A_252 = arith.subi %sign3A_248, %sign3A_251 : i32
        %ne3A = arith.cmpi ne, %sign3A_245, %sign3A_252 : i32
        %rem3A = arith.remsi %mul3A_238, %jit3A_239 : i32
        %ne3A_253 = arith.constant 0 : i32
        %ne3A_254 = arith.cmpi ne, %rem3A, %ne3A_253 : i32
        %and3A = arith.andi %ne3A, %ne3A_254 : i1
        %sub3A_255 = arith.constant 1 : i32
        %sub3A_256 = arith.subi %div3A, %sub3A_255 : i32
        %select_n3A_257 = arith.select %and3A, %sub3A_256, %div3A : i32
        %mul3A_258 = arith.constant 128 : i32
        %mul3A_259 = arith.muli %select_n3A_257, %mul3A_258 : i32
        %add3A_260 = vector.broadcast %mul3A_259 : i32 to vector<16xi32>
        %add3A_261 = arith.addi %mul3A_223, %add3A_260 : vector<16xi32>
        %select_n3A_262 = arith.select %lt3A_213, %add3A_194, %broadcast_in_dim3A_9 : vector<16xi1>, vector<16xi32>
        tpu.vector_store_idx %arg7[%add3A_261], %select_n3A_262 : memref<65536xi32, #tpu.memory_space<vmem>>[vector<16xi32>], vector<16xi32>,
        %add3A_263 = arith.constant 1 : i32
        %add3A_264 = vector.broadcast %add3A_263 : i32 to vector<16xi32>
        %add3A_265 = arith.addi %add3A_261, %add3A_264 : vector<16xi32>
        %select_n3A_266 = arith.select %ge3A_215, %add3A_194, %broadcast_in_dim3A_9 : vector<16xi1>, vector<16xi32>
        tpu.vector_store_idx %arg7[%add3A_265], %select_n3A_266 : memref<65536xi32, #tpu.memory_space<vmem>>[vector<16xi32>], vector<16xi32>,
        %add3A_267 = arith.constant 2 : i32
        %add3A_268 = vector.broadcast %add3A_267 : i32 to vector<16xi32>
        %add3A_269 = arith.addi %add3A_261, %add3A_268 : vector<16xi32>
        %select_n3A_270 = arith.select %lt3A_218, %add3A_194, %broadcast_in_dim3A_9 : vector<16xi1>, vector<16xi32>
        tpu.vector_store_idx %arg7[%add3A_269], %select_n3A_270 : memref<65536xi32, #tpu.memory_space<vmem>>[vector<16xi32>], vector<16xi32>,
        %add3A_271 = arith.constant 3 : i32
        %add3A_272 = vector.broadcast %add3A_271 : i32 to vector<16xi32>
        %add3A_273 = arith.addi %add3A_261, %add3A_272 : vector<16xi32>
        %select_n3A_274 = arith.select %gt3A_220, %add3A_194, %broadcast_in_dim3A_9 : vector<16xi1>, vector<16xi32>
        tpu.vector_store_idx %arg7[%add3A_273], %select_n3A_274 : memref<65536xi32, #tpu.memory_space<vmem>>[vector<16xi32>], vector<16xi32>,
        %add3A_275 = arith.constant 128 : i32
        %add3A_276 = vector.broadcast %add3A_275 : i32 to vector<16xi32>
        %add3A_277 = arith.addi %add3A_261, %add3A_276 : vector<16xi32>
        %add3A_278 = arith.constant 512 : i32
        %add3A_279 = vector.broadcast %add3A_278 : i32 to vector<16xi32>
        %add3A_280 = arith.addi %add3A_194, %add3A_279 : vector<16xi32>
        %select_n3A_281 = arith.select %lt3A_213, %add3A_280, %broadcast_in_dim3A_9 : vector<16xi1>, vector<16xi32>
        tpu.vector_store_idx %arg7[%add3A_277], %select_n3A_281 : memref<65536xi32, #tpu.memory_space<vmem>>[vector<16xi32>], vector<16xi32>,
        %add3A_282 = arith.constant 1 : i32
        %add3A_283 = vector.broadcast %add3A_282 : i32 to vector<16xi32>
        %add3A_284 = arith.addi %add3A_277, %add3A_283 : vector<16xi32>
        %sub3A_285 = arith.constant 512 : i32
        %sub3A_286 = vector.broadcast %sub3A_285 : i32 to vector<16xi32>
        %sub3A_287 = arith.subi %add3A_194, %sub3A_286 : vector<16xi32>
        %select_n3A_288 = arith.select %ge3A_215, %sub3A_287, %broadcast_in_dim3A_9 : vector<16xi1>, vector<16xi32>
        tpu.vector_store_idx %arg7[%add3A_284], %select_n3A_288 : memref<65536xi32, #tpu.memory_space<vmem>>[vector<16xi32>], vector<16xi32>,
        %add3A_289 = arith.constant 2 : i32
        %add3A_290 = vector.broadcast %add3A_289 : i32 to vector<16xi32>
        %add3A_291 = arith.addi %add3A_277, %add3A_290 : vector<16xi32>
        %add3A_292 = arith.constant 1 : i32
        %add3A_293 = vector.broadcast %add3A_292 : i32 to vector<16xi32>
        %add3A_294 = arith.addi %add3A_194, %add3A_293 : vector<16xi32>
        %select_n3A_295 = arith.select %lt3A_218, %add3A_294, %broadcast_in_dim3A_9 : vector<16xi1>, vector<16xi32>
        tpu.vector_store_idx %arg7[%add3A_291], %select_n3A_295 : memref<65536xi32, #tpu.memory_space<vmem>>[vector<16xi32>], vector<16xi32>,
        %add3A_296 = arith.constant 3 : i32
        %add3A_297 = vector.broadcast %add3A_296 : i32 to vector<16xi32>
        %add3A_298 = arith.addi %add3A_277, %add3A_297 : vector<16xi32>
        %sub3A_299 = arith.constant 1 : i32
        %sub3A_300 = vector.broadcast %sub3A_299 : i32 to vector<16xi32>
        %sub3A_301 = arith.subi %add3A_194, %sub3A_300 : vector<16xi32>
        %select_n3A_302 = arith.select %gt3A_220, %sub3A_301, %broadcast_in_dim3A_9 : vector<16xi1>, vector<16xi32>
        tpu.vector_store_idx %arg7[%add3A_298], %select_n3A_302 : memref<65536xi32, #tpu.memory_space<vmem>>[vector<16xi32>], vector<16xi32>,
        %scan3A_303 = arith.constant 0 : i32
        scf.yield %scan3A_303 : i32
      }
      %scan3A_185 = arith.constant 32 : i32
      %scan3A_186 = arith.constant 0 : i32
      scf.yield %scan3A_186 : i32
    }
    %scan3A_64 = arith.constant 4 : i32
    %add3A_65 = arith.constant 16384 : i32
    %add3A_66 = arith.addi %mul3A_11, %add3A_65 : i32
    %add3A_67 = arith.constant 32768 : i32
    %add3A_68 = arith.addi %mul3A_13, %add3A_67 : i32
    %dma_start3A_69 = arith.constant 16384 : i32
    %dma_start3A_70 = tpu.memref_slice %arg6[%dma_start3A_69] : memref<32768xf32, #tpu.memory_space<vmem>> -> memref<8192xf32, #tpu.memory_space<vmem>>
    %dma_start3A_71 = tpu.memref_slice %arg3[%add3A_66] : memref<1048576xf32, #tpu.memory_space<hbm>> -> memref<8192xf32, #tpu.memory_space<hbm>>
    %dma_start3A_72 = tpu.memref_slice %arg3[%add3A_66] : memref<1048576xf32, #tpu.memory_space<hbm>> -> memref<8192xf32, #tpu.memory_space<hbm>>
    %dma_start3A_73 = arith.constant 16384 : i32
    %dma_start3A_74 = tpu.memref_slice %arg6[%dma_start3A_73] : memref<32768xf32, #tpu.memory_space<vmem>> -> memref<8192xf32, #tpu.memory_space<vmem>>
    tpu.enqueue_dma source(%dma_start3A_74 : memref<8192xf32, #tpu.memory_space<vmem>>) target(%dma_start3A_72 : memref<8192xf32, #tpu.memory_space<hbm>>) target_semaphore(%arg8 : memref<!tpu.dma_semaphore, #tpu.memory_space<semaphore_mem>>)
    %dma_start3A_75 = arith.constant 32768 : i32
    %dma_start3A_76 = tpu.memref_slice %arg7[%dma_start3A_75] : memref<65536xi32, #tpu.memory_space<vmem>> -> memref<16384xi32, #tpu.memory_space<vmem>>
    %dma_start3A_77 = tpu.memref_slice %arg4[%add3A_68] : memref<2097152xi32, #tpu.memory_space<hbm>> -> memref<16384xi32, #tpu.memory_space<hbm>>
    %dma_start3A_78 = tpu.memref_slice %arg4[%add3A_68] : memref<2097152xi32, #tpu.memory_space<hbm>> -> memref<16384xi32, #tpu.memory_space<hbm>>
    %dma_start3A_79 = arith.constant 32768 : i32
    %dma_start3A_80 = tpu.memref_slice %arg7[%dma_start3A_79] : memref<65536xi32, #tpu.memory_space<vmem>> -> memref<16384xi32, #tpu.memory_space<vmem>>
    tpu.enqueue_dma source(%dma_start3A_80 : memref<16384xi32, #tpu.memory_space<vmem>>) target(%dma_start3A_78 : memref<16384xi32, #tpu.memory_space<hbm>>) target_semaphore(%arg8 : memref<!tpu.dma_semaphore, #tpu.memory_space<semaphore_mem>>)
    %scan3A_81 = arith.constant 0 : i32
    %scan3A_82 = arith.constant 12 : i32
    %scan3A_83 = arith.constant 4 : i32
    %scan3A_84 = arith.addi %scan3A_82, %scan3A_83 : i32
    %scan3A_85 = arith.constant 1 : i32
    %scan3A_86 = scf.for %scan3A_151 = %scan3A_82 to %scan3A_84 step %scan3A_85 iter_args(%scan3A_152 = %scan3A_81) -> (i32)  : i32 {
      %add3A_153 = arith.addi %mul3A_2, %scan3A_151 : i32
      %sub3A_154 = arith.subi %add3A_153, %min3A : i32
      %add3A_155 = arith.constant 1 : i32
      %add3A_156 = arith.addi %sub3A_154, %add3A_155 : i32
      %min3A_157 = arith.constant 17 : i32
      %min3A_158 = arith.minsi %add3A_156, %min3A_157 : i32
      %sub3A_159 = arith.constant 1 : i32
      %sub3A_160 = arith.subi %sub3A_154, %sub3A_159 : i32
      %max3A_161 = arith.constant 0 : i32
      %max3A_162 = arith.maxsi %sub3A_160, %max3A_161 : i32
      %mul3A_163 = arith.constant 512 : i32
      %mul3A_164 = arith.muli %sub3A_154, %mul3A_163 : i32
      %add3A_165 = arith.constant 16 : i32
      %add3A_166 = arith.addi %add3A_165, %mul3A_164 : i32
      %mul3A_167 = arith.constant 512 : i32
      %mul3A_168 = arith.muli %min3A_158, %mul3A_167 : i32
      %add3A_169 = arith.constant 16 : i32
      %add3A_170 = arith.addi %add3A_169, %mul3A_168 : i32
      %mul3A_171 = arith.constant 512 : i32
      %mul3A_172 = arith.muli %max3A_162, %mul3A_171 : i32
      %add3A_173 = arith.constant 16 : i32
      %add3A_174 = arith.addi %add3A_173, %mul3A_172 : i32
      %mul3A_175 = arith.constant 512 : i32
      %mul3A_176 = arith.muli %add3A_153, %mul3A_175 : i32
      %mul3A_177 = arith.constant 512 : i32
      %mul3A_178 = arith.muli %scan3A_151, %mul3A_177 : i32
      %scan3A_179 = arith.constant 0 : i32
      %scan3A_180 = arith.constant 0 : i32
      %scan3A_181 = arith.constant 32 : i32
      %scan3A_182 = arith.addi %scan3A_180, %scan3A_181 : i32
      %scan3A_183 = arith.constant 1 : i32
      %scan3A_184 = scf.for %scan3A_187 = %scan3A_180 to %scan3A_182 step %scan3A_183 iter_args(%scan3A_188 = %scan3A_179) -> (i32)  : i32 {
        %mul3A_189 = arith.constant 16 : i32
        %mul3A_190 = arith.muli %scan3A_187, %mul3A_189 : i32
        %add3A_191 = vector.broadcast %mul3A_190 : i32 to vector<16xi32>
        %add3A_192 = arith.addi %iota3A, %add3A_191 : vector<16xi32>
        %add3A_193 = vector.broadcast %mul3A_176 : i32 to vector<16xi32>
        %add3A_194 = arith.addi %add3A_193, %add3A_192 : vector<16xi32>
        %add3A_195 = vector.broadcast %mul3A_178 : i32 to vector<16xi32>
        %add3A_196 = arith.addi %add3A_195, %add3A_192 : vector<16xi32>
        %add3A_197 = arith.addi %add3A_170, %mul3A_190 : i32
        %get3A = arith.index_cast %add3A_197 : i32 to index
        %get3A_198 = tpu.vector_load %arg5[%get3A] {strides = array<i32>} : memref<9248xf32, #tpu.memory_space<vmem>>, vector<16xf32>,
        %add3A_199 = arith.addi %add3A_174, %mul3A_190 : i32
        %get3A_200 = arith.index_cast %add3A_199 : i32 to index
        %get3A_201 = tpu.vector_load %arg5[%get3A_200] {strides = array<i32>} : memref<9248xf32, #tpu.memory_space<vmem>>, vector<16xf32>,
        %add3A_202 = arith.addi %add3A_166, %mul3A_190 : i32
        %add3A_203 = arith.constant 1 : i32
        %add3A_204 = arith.addi %add3A_202, %add3A_203 : i32
        %get3A_205 = arith.index_cast %add3A_204 : i32 to index
        %get3A_206 = tpu.vector_load %arg5[%get3A_205] {strides = array<i32>} : memref<9248xf32, #tpu.memory_space<vmem>>, vector<16xf32>,
        %add3A_207 = arith.addi %add3A_166, %mul3A_190 : i32
        %sub3A_208 = arith.constant 1 : i32
        %sub3A_209 = arith.subi %add3A_207, %sub3A_208 : i32
        %get3A_210 = arith.index_cast %sub3A_209 : i32 to index
        %get3A_211 = tpu.vector_load %arg5[%get3A_210] {strides = array<i32>} : memref<9248xf32, #tpu.memory_space<vmem>>, vector<16xf32>,
        %lt3A = arith.constant 261632 : i32
        %lt3A_212 = vector.broadcast %lt3A : i32 to vector<16xi32>
        %lt3A_213 = arith.cmpi slt, %add3A_194, %lt3A_212 : vector<16xi32>
        %ge3A = arith.constant 512 : i32
        %ge3A_214 = vector.broadcast %ge3A : i32 to vector<16xi32>
        %ge3A_215 = arith.cmpi sge, %add3A_194, %ge3A_214 : vector<16xi32>
        %lt3A_216 = arith.constant 511 : i32
        %lt3A_217 = vector.broadcast %lt3A_216 : i32 to vector<16xi32>
        %lt3A_218 = arith.cmpi slt, %add3A_192, %lt3A_217 : vector<16xi32>
        %gt3A = arith.constant 0 : i32
        %gt3A_219 = vector.broadcast %gt3A : i32 to vector<16xi32>
        %gt3A_220 = arith.cmpi sgt, %add3A_192, %gt3A_219 : vector<16xi32>
        %mul3A_221 = arith.constant 4 : i32
        %mul3A_222 = vector.broadcast %mul3A_221 : i32 to vector<16xi32>
        %mul3A_223 = arith.muli %add3A_196, %mul3A_222 : vector<16xi32>
        %select_n3A = arith.select %lt3A_213, %get3A_198, %broadcast_in_dim3A_7 : vector<16xi1>, vector<16xf32>
        tpu.vector_store_idx %arg6[%mul3A_223], %select_n3A : memref<32768xf32, #tpu.memory_space<vmem>>[vector<16xi32>], vector<16xf32>,
        %add3A_224 = arith.constant 1 : i32
        %add3A_225 = vector.broadcast %add3A_224 : i32 to vector<16xi32>
        %add3A_226 = arith.addi %mul3A_223, %add3A_225 : vector<16xi32>
        %select_n3A_227 = arith.select %ge3A_215, %get3A_201, %broadcast_in_dim3A_7 : vector<16xi1>, vector<16xf32>
        tpu.vector_store_idx %arg6[%add3A_226], %select_n3A_227 : memref<32768xf32, #tpu.memory_space<vmem>>[vector<16xi32>], vector<16xf32>,
        %add3A_228 = arith.constant 2 : i32
        %add3A_229 = vector.broadcast %add3A_228 : i32 to vector<16xi32>
        %add3A_230 = arith.addi %mul3A_223, %add3A_229 : vector<16xi32>
        %select_n3A_231 = arith.select %lt3A_218, %get3A_206, %broadcast_in_dim3A_7 : vector<16xi1>, vector<16xf32>
        tpu.vector_store_idx %arg6[%add3A_230], %select_n3A_231 : memref<32768xf32, #tpu.memory_space<vmem>>[vector<16xi32>], vector<16xf32>,
        %add3A_232 = arith.constant 3 : i32
        %add3A_233 = vector.broadcast %add3A_232 : i32 to vector<16xi32>
        %add3A_234 = arith.addi %mul3A_223, %add3A_233 : vector<16xi32>
        %select_n3A_235 = arith.select %gt3A_220, %get3A_211, %broadcast_in_dim3A_7 : vector<16xi1>, vector<16xf32>
        tpu.vector_store_idx %arg6[%add3A_234], %select_n3A_235 : memref<32768xf32, #tpu.memory_space<vmem>>[vector<16xi32>], vector<16xf32>,
        %add3A_236 = arith.addi %mul3A_178, %mul3A_190 : i32
        %mul3A_237 = arith.constant 4 : i32
        %mul3A_238 = arith.muli %add3A_236, %mul3A_237 : i32
        %jit3A_239 = arith.constant 128 : i32
        %div3A = arith.divsi %mul3A_238, %jit3A_239 : i32
        %sign3A = arith.constant 0 : i32
        %sign3A_240 = arith.cmpi sgt, %mul3A_238, %sign3A : i32
        %sign3A_241 = arith.extui %sign3A_240 : i1 to i32
        %sign3A_242 = arith.constant 0 : i32
        %sign3A_243 = arith.cmpi slt, %mul3A_238, %sign3A_242 : i32
        %sign3A_244 = arith.extui %sign3A_243 : i1 to i32
        %sign3A_245 = arith.subi %sign3A_241, %sign3A_244 : i32
        %sign3A_246 = arith.constant 0 : i32
        %sign3A_247 = arith.cmpi sgt, %jit3A_239, %sign3A_246 : i32
        %sign3A_248 = arith.extui %sign3A_247 : i1 to i32
        %sign3A_249 = arith.constant 0 : i32
        %sign3A_250 = arith.cmpi slt, %jit3A_239, %sign3A_249 : i32
        %sign3A_251 = arith.extui %sign3A_250 : i1 to i32
        %sign3A_252 = arith.subi %sign3A_248, %sign3A_251 : i32
        %ne3A = arith.cmpi ne, %sign3A_245, %sign3A_252 : i32
        %rem3A = arith.remsi %mul3A_238, %jit3A_239 : i32
        %ne3A_253 = arith.constant 0 : i32
        %ne3A_254 = arith.cmpi ne, %rem3A, %ne3A_253 : i32
        %and3A = arith.andi %ne3A, %ne3A_254 : i1
        %sub3A_255 = arith.constant 1 : i32
        %sub3A_256 = arith.subi %div3A, %sub3A_255 : i32
        %select_n3A_257 = arith.select %and3A, %sub3A_256, %div3A : i32
        %mul3A_258 = arith.constant 128 : i32
        %mul3A_259 = arith.muli %select_n3A_257, %mul3A_258 : i32
        %add3A_260 = vector.broadcast %mul3A_259 : i32 to vector<16xi32>
        %add3A_261 = arith.addi %mul3A_223, %add3A_260 : vector<16xi32>
        %select_n3A_262 = arith.select %lt3A_213, %add3A_194, %broadcast_in_dim3A_9 : vector<16xi1>, vector<16xi32>
        tpu.vector_store_idx %arg7[%add3A_261], %select_n3A_262 : memref<65536xi32, #tpu.memory_space<vmem>>[vector<16xi32>], vector<16xi32>,
        %add3A_263 = arith.constant 1 : i32
        %add3A_264 = vector.broadcast %add3A_263 : i32 to vector<16xi32>
        %add3A_265 = arith.addi %add3A_261, %add3A_264 : vector<16xi32>
        %select_n3A_266 = arith.select %ge3A_215, %add3A_194, %broadcast_in_dim3A_9 : vector<16xi1>, vector<16xi32>
        tpu.vector_store_idx %arg7[%add3A_265], %select_n3A_266 : memref<65536xi32, #tpu.memory_space<vmem>>[vector<16xi32>], vector<16xi32>,
        %add3A_267 = arith.constant 2 : i32
        %add3A_268 = vector.broadcast %add3A_267 : i32 to vector<16xi32>
        %add3A_269 = arith.addi %add3A_261, %add3A_268 : vector<16xi32>
        %select_n3A_270 = arith.select %lt3A_218, %add3A_194, %broadcast_in_dim3A_9 : vector<16xi1>, vector<16xi32>
        tpu.vector_store_idx %arg7[%add3A_269], %select_n3A_270 : memref<65536xi32, #tpu.memory_space<vmem>>[vector<16xi32>], vector<16xi32>,
        %add3A_271 = arith.constant 3 : i32
        %add3A_272 = vector.broadcast %add3A_271 : i32 to vector<16xi32>
        %add3A_273 = arith.addi %add3A_261, %add3A_272 : vector<16xi32>
        %select_n3A_274 = arith.select %gt3A_220, %add3A_194, %broadcast_in_dim3A_9 : vector<16xi1>, vector<16xi32>
        tpu.vector_store_idx %arg7[%add3A_273], %select_n3A_274 : memref<65536xi32, #tpu.memory_space<vmem>>[vector<16xi32>], vector<16xi32>,
        %add3A_275 = arith.constant 128 : i32
        %add3A_276 = vector.broadcast %add3A_275 : i32 to vector<16xi32>
        %add3A_277 = arith.addi %add3A_261, %add3A_276 : vector<16xi32>
        %add3A_278 = arith.constant 512 : i32
        %add3A_279 = vector.broadcast %add3A_278 : i32 to vector<16xi32>
        %add3A_280 = arith.addi %add3A_194, %add3A_279 : vector<16xi32>
        %select_n3A_281 = arith.select %lt3A_213, %add3A_280, %broadcast_in_dim3A_9 : vector<16xi1>, vector<16xi32>
        tpu.vector_store_idx %arg7[%add3A_277], %select_n3A_281 : memref<65536xi32, #tpu.memory_space<vmem>>[vector<16xi32>], vector<16xi32>,
        %add3A_282 = arith.constant 1 : i32
        %add3A_283 = vector.broadcast %add3A_282 : i32 to vector<16xi32>
        %add3A_284 = arith.addi %add3A_277, %add3A_283 : vector<16xi32>
        %sub3A_285 = arith.constant 512 : i32
        %sub3A_286 = vector.broadcast %sub3A_285 : i32 to vector<16xi32>
        %sub3A_287 = arith.subi %add3A_194, %sub3A_286 : vector<16xi32>
        %select_n3A_288 = arith.select %ge3A_215, %sub3A_287, %broadcast_in_dim3A_9 : vector<16xi1>, vector<16xi32>
        tpu.vector_store_idx %arg7[%add3A_284], %select_n3A_288 : memref<65536xi32, #tpu.memory_space<vmem>>[vector<16xi32>], vector<16xi32>,
        %add3A_289 = arith.constant 2 : i32
        %add3A_290 = vector.broadcast %add3A_289 : i32 to vector<16xi32>
        %add3A_291 = arith.addi %add3A_277, %add3A_290 : vector<16xi32>
        %add3A_292 = arith.constant 1 : i32
        %add3A_293 = vector.broadcast %add3A_292 : i32 to vector<16xi32>
        %add3A_294 = arith.addi %add3A_194, %add3A_293 : vector<16xi32>
        %select_n3A_295 = arith.select %lt3A_218, %add3A_294, %broadcast_in_dim3A_9 : vector<16xi1>, vector<16xi32>
        tpu.vector_store_idx %arg7[%add3A_291], %select_n3A_295 : memref<65536xi32, #tpu.memory_space<vmem>>[vector<16xi32>], vector<16xi32>,
        %add3A_296 = arith.constant 3 : i32
        %add3A_297 = vector.broadcast %add3A_296 : i32 to vector<16xi32>
        %add3A_298 = arith.addi %add3A_277, %add3A_297 : vector<16xi32>
        %sub3A_299 = arith.constant 1 : i32
        %sub3A_300 = vector.broadcast %sub3A_299 : i32 to vector<16xi32>
        %sub3A_301 = arith.subi %add3A_194, %sub3A_300 : vector<16xi32>
        %select_n3A_302 = arith.select %gt3A_220, %sub3A_301, %broadcast_in_dim3A_9 : vector<16xi1>, vector<16xi32>
        tpu.vector_store_idx %arg7[%add3A_298], %select_n3A_302 : memref<65536xi32, #tpu.memory_space<vmem>>[vector<16xi32>], vector<16xi32>,
        %scan3A_303 = arith.constant 0 : i32
        scf.yield %scan3A_303 : i32
      }
      %scan3A_185 = arith.constant 32 : i32
      %scan3A_186 = arith.constant 0 : i32
      scf.yield %scan3A_186 : i32
    }
    %scan3A_87 = arith.constant 4 : i32
    %add3A_88 = arith.constant 24576 : i32
    %add3A_89 = arith.addi %mul3A_11, %add3A_88 : i32
    %add3A_90 = arith.constant 49152 : i32
    %add3A_91 = arith.addi %mul3A_13, %add3A_90 : i32
    %dma_start3A_92 = arith.constant 24576 : i32
    %dma_start3A_93 = tpu.memref_slice %arg6[%dma_start3A_92] : memref<32768xf32, #tpu.memory_space<vmem>> -> memref<8192xf32, #tpu.memory_space<vmem>>
    %dma_start3A_94 = tpu.memref_slice %arg3[%add3A_89] : memref<1048576xf32, #tpu.memory_space<hbm>> -> memref<8192xf32, #tpu.memory_space<hbm>>
    %dma_start3A_95 = tpu.memref_slice %arg3[%add3A_89] : memref<1048576xf32, #tpu.memory_space<hbm>> -> memref<8192xf32, #tpu.memory_space<hbm>>
    %dma_start3A_96 = arith.constant 24576 : i32
    %dma_start3A_97 = tpu.memref_slice %arg6[%dma_start3A_96] : memref<32768xf32, #tpu.memory_space<vmem>> -> memref<8192xf32, #tpu.memory_space<vmem>>
    tpu.enqueue_dma source(%dma_start3A_97 : memref<8192xf32, #tpu.memory_space<vmem>>) target(%dma_start3A_95 : memref<8192xf32, #tpu.memory_space<hbm>>) target_semaphore(%arg8 : memref<!tpu.dma_semaphore, #tpu.memory_space<semaphore_mem>>)
    %dma_start3A_98 = arith.constant 49152 : i32
    %dma_start3A_99 = tpu.memref_slice %arg7[%dma_start3A_98] : memref<65536xi32, #tpu.memory_space<vmem>> -> memref<16384xi32, #tpu.memory_space<vmem>>
    %dma_start3A_100 = tpu.memref_slice %arg4[%add3A_91] : memref<2097152xi32, #tpu.memory_space<hbm>> -> memref<16384xi32, #tpu.memory_space<hbm>>
    %dma_start3A_101 = tpu.memref_slice %arg4[%add3A_91] : memref<2097152xi32, #tpu.memory_space<hbm>> -> memref<16384xi32, #tpu.memory_space<hbm>>
    %dma_start3A_102 = arith.constant 49152 : i32
    %dma_start3A_103 = tpu.memref_slice %arg7[%dma_start3A_102] : memref<65536xi32, #tpu.memory_space<vmem>> -> memref<16384xi32, #tpu.memory_space<vmem>>
    tpu.enqueue_dma source(%dma_start3A_103 : memref<16384xi32, #tpu.memory_space<vmem>>) target(%dma_start3A_101 : memref<16384xi32, #tpu.memory_space<hbm>>) target_semaphore(%arg8 : memref<!tpu.dma_semaphore, #tpu.memory_space<semaphore_mem>>)
    %dma_wait3A = arith.constant 0 : i32
    %dma_wait3A_104 = tpu.memref_slice %arg6[%dma_wait3A] : memref<32768xf32, #tpu.memory_space<vmem>> -> memref<8192xf32, #tpu.memory_space<vmem>>
    %dma_wait3A_105 = tpu.memref_slice %arg3[%add3A_21] : memref<1048576xf32, #tpu.memory_space<hbm>> -> memref<8192xf32, #tpu.memory_space<hbm>>
    %dma_wait3A_106 = tpu.memref_slice %arg3[%add3A_21] : memref<1048576xf32, #tpu.memory_space<hbm>> -> memref<8192xf32, #tpu.memory_space<hbm>>
    %dma_wait3A_107 = arith.constant 0 : i32
    %dma_wait3A_108 = tpu.memref_slice %arg6[%dma_wait3A_107] : memref<32768xf32, #tpu.memory_space<vmem>> -> memref<8192xf32, #tpu.memory_space<vmem>>
    tpu.wait_dma2 semaphore(%arg8 : memref<!tpu.dma_semaphore, #tpu.memory_space<semaphore_mem>>) src(%dma_wait3A_108 : memref<8192xf32, #tpu.memory_space<vmem>>) dst(%dma_wait3A_106 : memref<8192xf32, #tpu.memory_space<hbm>>)
    %dma_wait3A_109 = arith.constant 0 : i32
    %dma_wait3A_110 = tpu.memref_slice %arg7[%dma_wait3A_109] : memref<65536xi32, #tpu.memory_space<vmem>> -> memref<16384xi32, #tpu.memory_space<vmem>>
    %dma_wait3A_111 = tpu.memref_slice %arg4[%add3A_23] : memref<2097152xi32, #tpu.memory_space<hbm>> -> memref<16384xi32, #tpu.memory_space<hbm>>
    %dma_wait3A_112 = tpu.memref_slice %arg4[%add3A_23] : memref<2097152xi32, #tpu.memory_space<hbm>> -> memref<16384xi32, #tpu.memory_space<hbm>>
    %dma_wait3A_113 = arith.constant 0 : i32
    %dma_wait3A_114 = tpu.memref_slice %arg7[%dma_wait3A_113] : memref<65536xi32, #tpu.memory_space<vmem>> -> memref<16384xi32, #tpu.memory_space<vmem>>
    tpu.wait_dma2 semaphore(%arg8 : memref<!tpu.dma_semaphore, #tpu.memory_space<semaphore_mem>>) src(%dma_wait3A_114 : memref<16384xi32, #tpu.memory_space<vmem>>) dst(%dma_wait3A_112 : memref<16384xi32, #tpu.memory_space<hbm>>)
    %dma_wait3A_115 = arith.constant 8192 : i32
    %dma_wait3A_116 = tpu.memref_slice %arg6[%dma_wait3A_115] : memref<32768xf32, #tpu.memory_space<vmem>> -> memref<8192xf32, #tpu.memory_space<vmem>>
    %dma_wait3A_117 = tpu.memref_slice %arg3[%add3A_43] : memref<1048576xf32, #tpu.memory_space<hbm>> -> memref<8192xf32, #tpu.memory_space<hbm>>
    %dma_wait3A_118 = tpu.memref_slice %arg3[%add3A_43] : memref<1048576xf32, #tpu.memory_space<hbm>> -> memref<8192xf32, #tpu.memory_space<hbm>>
    %dma_wait3A_119 = arith.constant 8192 : i32
    %dma_wait3A_120 = tpu.memref_slice %arg6[%dma_wait3A_119] : memref<32768xf32, #tpu.memory_space<vmem>> -> memref<8192xf32, #tpu.memory_space<vmem>>
    tpu.wait_dma2 semaphore(%arg8 : memref<!tpu.dma_semaphore, #tpu.memory_space<semaphore_mem>>) src(%dma_wait3A_120 : memref<8192xf32, #tpu.memory_space<vmem>>) dst(%dma_wait3A_118 : memref<8192xf32, #tpu.memory_space<hbm>>)
    %dma_wait3A_121 = arith.constant 16384 : i32
    %dma_wait3A_122 = tpu.memref_slice %arg7[%dma_wait3A_121] : memref<65536xi32, #tpu.memory_space<vmem>> -> memref<16384xi32, #tpu.memory_space<vmem>>
    %dma_wait3A_123 = tpu.memref_slice %arg4[%add3A_45] : memref<2097152xi32, #tpu.memory_space<hbm>> -> memref<16384xi32, #tpu.memory_space<hbm>>
    %dma_wait3A_124 = tpu.memref_slice %arg4[%add3A_45] : memref<2097152xi32, #tpu.memory_space<hbm>> -> memref<16384xi32, #tpu.memory_space<hbm>>
    %dma_wait3A_125 = arith.constant 16384 : i32
    %dma_wait3A_126 = tpu.memref_slice %arg7[%dma_wait3A_125] : memref<65536xi32, #tpu.memory_space<vmem>> -> memref<16384xi32, #tpu.memory_space<vmem>>
    tpu.wait_dma2 semaphore(%arg8 : memref<!tpu.dma_semaphore, #tpu.memory_space<semaphore_mem>>) src(%dma_wait3A_126 : memref<16384xi32, #tpu.memory_space<vmem>>) dst(%dma_wait3A_124 : memref<16384xi32, #tpu.memory_space<hbm>>)
    %dma_wait3A_127 = arith.constant 16384 : i32
    %dma_wait3A_128 = tpu.memref_slice %arg6[%dma_wait3A_127] : memref<32768xf32, #tpu.memory_space<vmem>> -> memref<8192xf32, #tpu.memory_space<vmem>>
    %dma_wait3A_129 = tpu.memref_slice %arg3[%add3A_66] : memref<1048576xf32, #tpu.memory_space<hbm>> -> memref<8192xf32, #tpu.memory_space<hbm>>
    %dma_wait3A_130 = tpu.memref_slice %arg3[%add3A_66] : memref<1048576xf32, #tpu.memory_space<hbm>> -> memref<8192xf32, #tpu.memory_space<hbm>>
    %dma_wait3A_131 = arith.constant 16384 : i32
    %dma_wait3A_132 = tpu.memref_slice %arg6[%dma_wait3A_131] : memref<32768xf32, #tpu.memory_space<vmem>> -> memref<8192xf32, #tpu.memory_space<vmem>>
    tpu.wait_dma2 semaphore(%arg8 : memref<!tpu.dma_semaphore, #tpu.memory_space<semaphore_mem>>) src(%dma_wait3A_132 : memref<8192xf32, #tpu.memory_space<vmem>>) dst(%dma_wait3A_130 : memref<8192xf32, #tpu.memory_space<hbm>>)
    %dma_wait3A_133 = arith.constant 32768 : i32
    %dma_wait3A_134 = tpu.memref_slice %arg7[%dma_wait3A_133] : memref<65536xi32, #tpu.memory_space<vmem>> -> memref<16384xi32, #tpu.memory_space<vmem>>
    %dma_wait3A_135 = tpu.memref_slice %arg4[%add3A_68] : memref<2097152xi32, #tpu.memory_space<hbm>> -> memref<16384xi32, #tpu.memory_space<hbm>>
    %dma_wait3A_136 = tpu.memref_slice %arg4[%add3A_68] : memref<2097152xi32, #tpu.memory_space<hbm>> -> memref<16384xi32, #tpu.memory_space<hbm>>
    %dma_wait3A_137 = arith.constant 32768 : i32
    %dma_wait3A_138 = tpu.memref_slice %arg7[%dma_wait3A_137] : memref<65536xi32, #tpu.memory_space<vmem>> -> memref<16384xi32, #tpu.memory_space<vmem>>
    tpu.wait_dma2 semaphore(%arg8 : memref<!tpu.dma_semaphore, #tpu.memory_space<semaphore_mem>>) src(%dma_wait3A_138 : memref<16384xi32, #tpu.memory_space<vmem>>) dst(%dma_wait3A_136 : memref<16384xi32, #tpu.memory_space<hbm>>)
    %dma_wait3A_139 = arith.constant 24576 : i32
    %dma_wait3A_140 = tpu.memref_slice %arg6[%dma_wait3A_139] : memref<32768xf32, #tpu.memory_space<vmem>> -> memref<8192xf32, #tpu.memory_space<vmem>>
    %dma_wait3A_141 = tpu.memref_slice %arg3[%add3A_89] : memref<1048576xf32, #tpu.memory_space<hbm>> -> memref<8192xf32, #tpu.memory_space<hbm>>
    %dma_wait3A_142 = tpu.memref_slice %arg3[%add3A_89] : memref<1048576xf32, #tpu.memory_space<hbm>> -> memref<8192xf32, #tpu.memory_space<hbm>>
    %dma_wait3A_143 = arith.constant 24576 : i32
    %dma_wait3A_144 = tpu.memref_slice %arg6[%dma_wait3A_143] : memref<32768xf32, #tpu.memory_space<vmem>> -> memref<8192xf32, #tpu.memory_space<vmem>>
    tpu.wait_dma2 semaphore(%arg8 : memref<!tpu.dma_semaphore, #tpu.memory_space<semaphore_mem>>) src(%dma_wait3A_144 : memref<8192xf32, #tpu.memory_space<vmem>>) dst(%dma_wait3A_142 : memref<8192xf32, #tpu.memory_space<hbm>>)
    %dma_wait3A_145 = arith.constant 49152 : i32
    %dma_wait3A_146 = tpu.memref_slice %arg7[%dma_wait3A_145] : memref<65536xi32, #tpu.memory_space<vmem>> -> memref<16384xi32, #tpu.memory_space<vmem>>
    %dma_wait3A_147 = tpu.memref_slice %arg4[%add3A_91] : memref<2097152xi32, #tpu.memory_space<hbm>> -> memref<16384xi32, #tpu.memory_space<hbm>>
    %dma_wait3A_148 = tpu.memref_slice %arg4[%add3A_91] : memref<2097152xi32, #tpu.memory_space<hbm>> -> memref<16384xi32, #tpu.memory_space<hbm>>
    %dma_wait3A_149 = arith.constant 49152 : i32
    %dma_wait3A_150 = tpu.memref_slice %arg7[%dma_wait3A_149] : memref<65536xi32, #tpu.memory_space<vmem>> -> memref<16384xi32, #tpu.memory_space<vmem>>
    tpu.wait_dma2 semaphore(%arg8 : memref<!tpu.dma_semaphore, #tpu.memory_space<semaphore_mem>>) src(%dma_wait3A_150 : memref<16384xi32, #tpu.memory_space<vmem>>) dst(%dma_wait3A_148 : memref<16384xi32, #tpu.memory_space<hbm>>)
    return
  }
}

</mosaic_0001>

<sc_bundles>
// kernel: kernel.3.cloned.1.call-start
scs
__scs_entry_jumppad:
0x0: {  	(pc) =	sbr.rel $0x88, $3  }
0x1: {  	(tag) =	ssettag $0x0;
	lr =	simm.s32 $0x1  }
0x2: {  	[smem:$0x3FA0] =	sst lr;
	_ =	strace $0xD0000000  }
0x3: {  	_ = 	snop  }
0x4: {  	_ = 	snop  }
0x5: {  	_ = 	snop  }
0x6: {  	_ = 	snop  }
0x7: {  	_ = 	snop  }
__scs_overlays_trampoline_lowered:
0x8: {  	[smem:$0x3FAF] =	sst s0  }
0x9: {  	[smem:$0x3FB0] =	sst s1  }
0xa: {  	[smem:$0x3FB1] =	sst s2  }
0xb: {  	[smem:$0x3FB2] =	sst s3  }
0xc: {  	[smem:$0x3FB3] =	sst s4  }
0xd: {  	[smem:$0x3FB4] =	sst s5  }
0xe: {  	[smem:$0x3FB5] =	sst s6  }
0xf: {  	[smem:$0x3FB6] =	sst s7  }
0x10: {  	[smem:$0x3FB7] =	sst s8  }
0x11: {  	[smem:$0x3FB8] =	sst s9;
	s0 =	simm.s32 @!p0 $0x0  }
0x12: {  	s1 =	sld [smem:$0x3F9E];
	s0 =	simm.s32 @p0 $0x1  }
0x13: {  	[smem:$0x3FB9] =	sst s0;
	s0 =	simm.s32 @!p1 $0x0  }
0x14: {  	s2 =	sld [smem:$0x3F9D];
	s0 =	simm.s32 @p1 $0x1  }
0x15: {  	[smem:$0x3FBA] =	sst s0;
	s0 =	simm.s32 @!p2 $0x0  }
0x16: {  	s3 =	sld [smem:$0x3FDB];
	s0 =	simm.s32 @p2 $0x1  }
0x17: {  	s4 =	simm.s32 $0x1BF5;
	[smem:$0x3FBC] =	sst s0  }
0x18: {  	s0 =	sld [smem:$0x3F9F];
	_ =	swait.ge [sflag:s4], $0x0  }
0x19: {  	s7 =	sld [smem:$0x3FA0]  }
0x1a: {  	s8 =	sadd.s32 $0xFFFFE003, lr  }
0x1b: {  	s9 =	sadd.s32 $0xFFFFFEF7, lr;
	s5 =	simm.s32 $0xFFFFFFFF;
	p2 =	slt.u32 s8, $0xFFFFF086  }
0x1c: {  	p1 =	slt.u32 s9, $0xF7A;
	s5 =	simm.s32 @!p2 $0x0  }
0x1d: {  	s5 =	simm.s32 @p1 $0x1;
	p0 =	seq.s32 s7, s2  }
0x1e: {  	s7 =	smul.u32 @!p0 $0xF7A, s2;
	p2 =	seq.s32 @!p0 s5, $0x0  }
0x1f: {  	s9 =	smul.u32 $0xF7A, s1;
	s8 =	simm.s32 @!p0 $0x1BF5;
	p2 =	por !p2, p0  }
0x20: {  	[sflag:s8] =	ssyncset.s32 @!p0 $0xFFFFF086;
	s6 =	sadd.s32 @!p0 s3, s7;
	s7 =	simm.s32 @!p0 $0x108  }
0x21: {  	s3 =	sadd.s32 s3, s9;
	s6 =	sadd.s32 @!p0 $0x88, s6;
	s7 =	simm.s32 @p2 $0x1082  }
0x22: {  	[simem:s7], [sflag:s8] =	dma.local @!p0 [hbm:s6], $0xF7A  }
0x23: {  	s9 =	sor.u32 $0xD0000000, s2;
	s6 =	simm.s32 $0x108;
	_ =	swait.ge @!p0 [sflag:s8], $0x0  }
0x24: {  	s3 =	sadd.s32 $0x88, s3;
	s6 =	simm.s32 @!p1 $0x1082;
	[sflag:s4] =	ssyncset.s32 $0xFFFFF086  }
0x25: {  	[simem:s6], [sflag:s4] =	dma.local [hbm:s3], $0xF7A  }
0x26: {  	[smem:$0x3FA0] =	sst s1;
	(tag) =	ssettag s2;
	_ =	strace s9  }
0x27: {  	s1 =	sld [smem:$0x3FB0]  }
0x28: {  	s2 =	sld [smem:$0x3FB1]  }
0x29: {  	s4 =	sld [smem:$0x3FB3]  }
0x2a: {  	p0 =	seq.s32 s5, $0x0;
	s5 =	sld [smem:$0x3FB4]  }
0x2b: {  	s6 =	sld [smem:$0x3FB5]  }
0x2c: {  	s7 =	sld [smem:$0x3FB6]  }
0x2d: {  	s3 =	simm.s32 $0x108;
	s8 =	sld [smem:$0x3FB7]  }
0x2e: {  	s3 =	simm.s32 @!p0 $0x1082;
	s9 =	sld [smem:$0x3FB8]  }
0x2f: {  	lr =	sadd.s32 s0, s3;
	s0 =	sld [smem:$0x3FAF]  }
0x30: {  	s3 =	sld [smem:$0x3FB2]  }
0x31: {  	[smem:$0x3FBB] =	sst s10  }
0x32: {  	s10 =	sld [smem:$0x3FB9];
	_ =	sdelay $0x3  }
0x33: {  	p0 =	seq.s32 s10, $0x1;
	s10 =	sld [smem:$0x3FBB];
	_ =	sdelay $0x3  }
0x34: {  	[smem:$0x3FBB] =	sst s10  }
0x35: {  	s10 =	sld [smem:$0x3FBA];
	_ =	sdelay $0x3  }
0x36: {  	p1 =	seq.s32 s10, $0x1;
	s10 =	sld [smem:$0x3FBB];
	_ =	sdelay $0x3  }
0x37: {  	[smem:$0x3FBB] =	sst s10  }
0x38: {  	s10 =	sld [smem:$0x3FBC]  }
0x39: {  	_ = 	snop;
	(pc) =	sbr.ind lr, $3  }
0x3a: {  	_ = 	snop  }
0x3b: {  	_ = 	snop  }
0x3c: {  	p2 =	seq.s32 s10, $0x1;
	s10 =	sld [smem:$0x3FBB]  }
0x3d: {  	_ =	shalt  }
0x3e: {  	_ =	shalt  }
0x3f: {  	_ =	shalt  }
0x40: {  	_ =	shalt  }
0x41: {  	_ =	shalt  }
0x42: {  	_ =	shalt  }
0x43: {  	_ =	shalt  }
0x44: {  	_ =	shalt  }
0x45: {  	_ =	shalt  }
0x46: {  	_ =	shalt  }
0x47: {  	_ =	shalt  }
0x48: {  	_ =	shalt  }
0x49: {  	_ =	shalt  }
0x4a: {  	_ =	shalt  }
0x4b: {  	_ =	shalt  }
0x4c: {  	_ =	shalt  }
0x4d: {  	_ =	shalt  }
0x4e: {  	_ =	shalt  }
0x4f: {  	_ =	shalt  }
0x50: {  	_ =	shalt  }
0x51: {  	_ =	shalt  }
0x52: {  	_ =	shalt  }
0x53: {  	_ =	shalt  }
0x54: {  	_ =	shalt  }
0x55: {  	_ =	shalt  }
0x56: {  	_ =	shalt  }
0x57: {  	_ =	shalt  }
0x58: {  	_ =	shalt  }
0x59: {  	_ =	shalt  }
0x5a: {  	_ =	shalt  }
0x5b: {  	_ =	shalt  }
0x5c: {  	_ =	shalt  }
0x5d: {  	_ =	shalt  }
0x5e: {  	_ =	shalt  }
0x5f: {  	_ =	shalt  }
0x60: {  	_ =	shalt  }
0x61: {  	_ =	shalt  }
0x62: {  	_ =	shalt  }
0x63: {  	_ =	shalt  }
0x64: {  	_ =	shalt  }
0x65: {  	_ =	shalt  }
0x66: {  	_ =	shalt  }
0x67: {  	_ =	shalt  }
0x68: {  	_ =	shalt  }
0x69: {  	_ =	shalt  }
0x6a: {  	_ =	shalt  }
0x6b: {  	_ =	shalt  }
0x6c: {  	_ =	shalt  }
0x6d: {  	_ =	shalt  }
0x6e: {  	_ =	shalt  }
0x6f: {  	_ =	shalt  }
0x70: {  	_ =	shalt  }
0x71: {  	_ =	shalt  }
0x72: {  	_ =	shalt  }
0x73: {  	_ =	shalt  }
0x74: {  	_ =	shalt  }
0x75: {  	_ =	shalt  }
0x76: {  	_ =	shalt  }
0x77: {  	_ =	shalt  }
0x78: {  	_ =	shalt  }
0x79: {  	_ =	shalt  }
0x7a: {  	_ =	shalt  }
0x7b: {  	_ =	shalt  }
0x7c: {  	_ =	shalt  }
0x7d: {  	_ =	shalt  }
0x7e: {  	_ =	shalt  }
0x7f: {  	_ =	shalt  }
0x80: {  	_ =	shalt  }
0x81: {  	_ =	shalt  }
0x82: {  	_ =	shalt  }
0x83: {  	_ =	shalt  }
0x84: {  	_ =	shalt  }
0x85: {  	_ =	shalt  }
0x86: {  	_ =	shalt  }
0x87: {  	_ =	shalt  }
.Lfunc_end0:
.L_simem_size_0:
called_computation_lowered:
.L_overlay_start_0:
0x88: {  	s2 =	sld [smem:$0x3FD9]  }
0x89: {  	s3 =	sld [smem:$0x3FFE];
	_ =	sdelay $0x1  }
0x8a: {  	s1 =	srdreg.scid  }
0x8b: {  	s0 =	sand.u32 $0x1, s1  }
0x8c: {  	s14 =	sshll.u32 s0, $0xA;
	s2 =	sadd.s32 s3, s2  }
0x8d: {  	s2 =	sadd.s32 s2, s14  }
0x8e: {  	[smem:$0x3FC7] =	sst s2  }
0x8f: {  	_ = 	snop  }
0x90: {  	s2 =	sld [smem:$0x3FD0];
	_ =	sdelay $0x2  }
0x91: {  	s15 =	simm.s32 $0xA;
	s4 =	simm.s32 $0x10  }
0x92: {  	[smem:s4], [sflag:s15] =	dma.local [hbm:s2], $0x1  }
0x93: {  	_ =	swait.eq [sflag:s15], $0x1  }
0x94: {  	[sflag:s15] =	ssyncset.done $0x0  }
0x95: {  	s16 =	sld [smem:$0x10];
	[sflag:s15] =	ssyncadd.s32 $0xFFFFFFFF  }
0x96: {  	s17 =	sld [smem:$0x11];
	(tm) =	ssettm $0x1  }
0x97: {  	s18 =	sld [smem:$0x3FFB];
	_ =	sdelay $0x3  }
0x98: {  	_ =	strace s18  }
0x99: {  	s4 =	sld [smem:$0x3FFC];
	_ =	sdelay $0x3  }
0x9a: {  	_ =	strace s4  }
0x9b: {  	s4 =	sld [smem:$0x3FFD];
	_ =	sdelay $0x3  }
0x9c: {  	_ =	strace s4  }
0x9d: {  	_ =	strace $0x8FFFFFFF  }
0x9e: {  	s19 =	sld [smem:$0x3FDB];
	_ =	sdelay $0x1  }
0x9f: {  	s5 =	simm.s32 $_scs_section_size  }
0xa0: {  	s6 =	simm.s32 $_size__tile_overlayer_lowered;
	s7 =	simm.s32 $_tile_overlayer_lowered  }
0xa1: {  	s22 =	simm.s32 $0x1BFF;
	s21 =	sshll.u32 s7, $0x1;
	s4 =	sadd.s32 s5, s19  }
0xa2: {  	s8 =	simm.s32 $0x0;
	s20 =	sshll.u32 s6, $0x1;
	s6 =	sadd.s32 s21, s4  }
0xa3: {  	[timem:s8], [sflag:s22] =	dma.local [hbm:s6], s20  }
0xa4: {  	_ =	swait.ge [sflag:s22], s20  }
0xa5: {  	s5 =	ssub.s32 $0x0, s20;
	[sflag:s22] =	ssyncset.done $0x0  }
0xa6: {  	[sflag:s22] =	ssyncadd.s32 s5;
	_ =	sdelay $0x1  }
0xa7: {  	s23 =	simm.s32 $0x1B8B  }
0xa8: {  	_ =	swait.ge [sflag:s23], $0x1  }
0xa9: {  	[sflag:s23] =	ssyncset.done $0x0  }
0xaa: {  	s25 =	simm.s32 $0x1B8E;
	s24 =	sld [smem:$0x3FFE];
	[sflag:s23] =	ssyncadd.s32 $0xFFFFFFFF  }
0xab: {  	s26 =	simm.s32 $execute0_lowered;
	[smem:$0x3FD2] =	sst s25  }
0xac: {  	s6 =	sshll.u32 s26, $0x1;
	_ =	strace $0x80000046;
	[dreg:$0x1] =	wrdreg $0xFFFFFFFF  }
0xad: {  	s28 =	simm.s32 $_size_execute0_lowered;
	s4 =	sadd.s32 s4, s6;
	[dreg:$0x0] =	wrdreg $0x0  }
0xae: {  	s6 =	sshll.u32 s28, $0x1;
	[dreg:$0x2] =	wrdreg s4  }
0xaf: {  	[dreg:$0x3] =	wrdreg s6  }
0xb0: {  	[dreg:$0x4] =	wrdreg $0xC0  }
0xb1: {  	_ =	task [dreg:s8], $0x5FFFF  }
0xb2: {  	[dreg:$0x1] =	wrdreg $0xFFFFFFFF  }
0xb3: {  	[dreg:$0x0] =	wrdreg $0x60  }
0xb4: {  	[dreg:$0x2] =	wrdreg s24  }
0xb5: {  	[dreg:$0x3] =	wrdreg s16  }
0xb6: {  	[dreg:$0x4] =	wrdreg s17  }
0xb7: {  	[dreg:$0x5] =	wrdreg $0x9  }
0xb8: {  	_ =	task.clear_ibuf [dreg:s8], $0x6FFFF;
	_ =	strace $0x90000046  }
0xb9: {  	s29 =	simm.s32 $0x9;
	_ =	strace $0x80000048  }
0xba: {  	_ =	swait.ge [sflag:s29], $0x1  }
0xbb: {  	[sflag:s29] =	ssyncadd.s32 $0xFFFFFFFF  }
0xbc: {  	_ =	strace $0x90000048  }
0xbd: {  	_ =	sfence  }
0xbe: {  	s30 =	sld [smem:$0x0];
	_ =	sdelay $0x2  }
0xbf: {  	s31 =	sshll.u32 s1, $0xD;
	s1 =	sshrl.u32 s1, $0x2  }
0xc0: {  	s3 =	sand.u32 $0x4000, s31;
	s1 =	sadd.s32 s1, s30  }
0xc1: {  	s0 =	sor.u32 s3, s0;
	s1 =	sshll.u32 s1, $0x11  }
0xc2: {  	s0 =	sor.u32 s1, s0  }
0xc3: {  	s0 =	sadd.s32 $0x8F2B, s0  }
0xc4: {  	[sflag:s0] =	ssyncadd.remote.s32 $0x1  }
0xc5: {  	_ =	sfence.sel $0xFFFF  }
0xc6: {  	[dreg:$0x0] =	wrdreg $0xFFFFFFFF;
	(pc) =	sbr.abs _section_cstart, $3  }
0xc7: {  	[dreg:$0x1] =	wrdreg $0xFFFFFFFF  }
0xc8: {  	_ =	task.clear_ibuf [dreg:s8], $0x2FFFF;
	_ =	strace $0x9FFFFFFF  }
0xc9: {  	(tm) =	ssettm $0x7FFFFFFF  }
tec
execute0_lowered:
.L_overlay_start_1:
0x0: {  	(tag) =	ssettag $0x1  }
0x1: {  	s4 =	rddreg [dreg:$0x0]  }
0x2: {  	s0 =	srdreg.scid;
	s5 =	rddreg [dreg:$0x1]  }
0x3: {  	s10 =	stileid.u32;
	s6 =	rddreg [dreg:$0x2];
	s3 =	simm.s32 $0x0  }
0x4: {  	s0 =	sand.u32 $0x1, s0;
	s1 =	sshll.u32 s10, $0x1;
	[smem:$0x7FF] =	sst s3  }
0x5: {  	s15 =	sshll.u32 s10, $0x5;
	s20 =	sshll.u32 s10, $0x10;
	s1 =	sor.u32 s0, s1  }
0x6: {  	s8 =	ssub.s32 $0x2, s0;
	_ =	strace $0x80000047;
	s16 =	sshll.u32 s0, $0x4  }
0x7: {  	s0 =	sshll.u32 s0, $0xF;
	s2 =	sshll.u32 s1, $0x4;
	s9 =	sshrl.u32 s8, $0x1  }
0x8: {  	s14 =	sshll.u32 s1, $0xC;
	s1 =	sshll.u32 s1, $0xD;
	s17 =	sor.u32 s16, s15  }
0x9: {  	s0 =	sor.u32 s0, s20;
	s7 =	smax.u32 s2, $0x1;
	s6 =	sadd.s32 s6, s1  }
0xa: {  	s13 =	ssub.s32 s8, s9;
	s5 =	sadd.s32 s5, s14;
	s18 =	sadd.s32 $0x800, s6  }
0xb: {  	s19 =	smax.u32 s17, $0x1;
	s21 =	sadd.s32 $0x800, s5;
	[dreg:$0x6] =	wrdreg s18  }
0xc: {  	s7 =	smin.u32 s7, $0x1EF;
	s23 =	sadd.s32 $0x1000, s6;
	[dreg:$0x7] =	wrdreg s21  }
0xd: {  	s24 =	sadd.s32 $0xC00, s5;
	s7 =	sshll.u32 s7, $0x6;
	[dreg:$0x8] =	wrdreg s23  }
0xe: {  	s25 =	sadd.s32 $0x1800, s6;
	[dreg:$0x9] =	wrdreg s24;
	s4 =	sadd.s32 s4, s7  }
0xf: {  	s13 =	smax.u32 s13, $0x1;
	[dreg:$0xa] =	wrdreg s25;
	s4 =	sadd.s32 $0x7C0, s4  }
0x10: {  	s23 =	simm.s32 $0x2;
	[dreg:$0x4] =	wrdreg s4;
	s4 =	sadd.s32 $0x400, s5  }
0x11: {  	s24 =	simm.s32 $0x2480;
	[dreg:$0x5] =	wrdreg s4;
	s4 =	smin.u32 s19, $0x1EF  }
0x12: {  	s25 =	simm.s32 $0x1;
	s22 =	sshll.u32 s4, $0xB;
	s1 =	ssub.s32 s17, s4  }
0x13: {  	s0 =	ssub.s32 s0, s22;
	s28 =	sadd.s32 $0x1, s1;
	s17 =	sadd.s32 $0x5, s1  }
0x14: {  	s19 =	sadd.s32 $0x9, s1;
	s21 =	sadd.s32 $0xD, s1;
	s22 =	simm.s32 $0x0  }
0x15: {  	s26 =	sadd.s32 $0x83C, s0;
	s29 =	sadd.s32 $0x2844, s0;
	s30 =	sadd.s32 $0x4844, s0  }
0x16: {  	s0 =	sadd.s32 $0x6844, s0;
	s31 =	sshra.s32 s26, $0x2;
	s16 =	sshra.s32 s29, $0x2  }
0x17: {  	v0 =	vlaneseq.u32;
	s18 =	sshra.s32 s30, $0x2;
	s20 =	sshra.s32 s0, $0x2;
	s26 =	simm.s32 $0xA480  }
.LBB2_1:
0x18: {  	s0 =	rddreg [dreg:$0x4];
	s1 =	simm.s32 $0x10  }
0x19: {  	[tilespmem:s1], [sflag:$0x2] =	stream.linear.gather [hbm4b:s0+s3], $0x2400, $0x38;
	[tilespmem:$0x1A480] =	vst v63  }
0x1a: {  	s15 =	smov.u32 s28;
	_ =	swait.ge [sflag:s23], $0x2400  }
0x1b: {  	s29 =	simm.s32 $0x0;
	s30 =	simm.s32 $0x0;
	[sflag:s23] =	ssyncset.done $0x0  }
0x1c: {  	s14 =	smov.u32 s31;
	s1 =	simm.s32 $0x0;
	[sflag:s23] =	ssyncadd.s32 $0xFFFFDC00  }
.LBB2_2:
0x1d: {  	p0 =	slt.s32 s15, $0x10;
	s0 =	smov.u32 s15  }
0x1e: {  	p1 =	sgt.s32 s15, $0x1;
	s4 =	smov.u32 s15;
	s0 =	simm.s32 @!p0 $0x10  }
0x1f: {  	s4 =	simm.s32 @!p1 $0x1;
	s0 =	sshll.u32 s0, $0xB  }
0x20: {  	s4 =	sshll.u32 s4, $0x9;
	s0 =	sshra.s32 s0, $0x2  }
0x21: {  	s4 =	sand.u32 $0x3FFFFE00, s4;
	s0 =	sadd.s32 $0x210, s0  }
0x22: {  	s7 =	simm.s32 $0x0;
	s4 =	sadd.s32 $0xFFFFFE10, s4;
	v3 =	vmov s0  }
0x23: {  	s11 =	sand.u32 $0x1, s7;
	v2 =	vmov s4  }
0x24: {  	v1 =	vmov s14;
	p5 =	seq.s32 s30, $0x0;
	p6 =	seq.s32 s11, $0x1  }
0x25: {  	s10 =	sshll.u32 s1, $0x9;
	s8 =	simm.s32 $0x0;
	p0 =	por !p5, !p6  }
0x26: {  	s9 =	simm.s32 $0x1;
	v4 =	vmov s10;
	v6 =	vor.u32 s7, v0;
	s11 =	sadd.s32 $0x0, s29;
	p0 =	por !p0, !p0  }
0x27: {  	s12 =	sor.u32 s2, s1;
	v8 =	vor.u32 v4, v6;
	s0 =	sshrl.u32 s11, $0x5;
	s9 =	simm.s32 @!p0 $0x0;
	v7 =	vld.idx.msk [tilespmem:v3+s8+$0x0 ss:$0x1], $0xffff  }
0x28: {  	v10 =	vmov s7;
	v8 =	vshll.u32 v8, $0x2;
	s4 =	sshll.u32 s12, $0x9;
	s0 =	ssub.s32 s0, s9;
	v9 =	vld.idx.msk [tilespmem:v2+s8+$0x0 ss:$0x1], $0xffff  }
0x29: {  	v13 =	vor.u32 $0x1, v8;
	v15 =	vor.u32 $0x3, v8;
	v12 =	vld.idx.msk [tilespmem:v1+s8+$0x2 ss:$0x1], $0xffff;
	v5 =	vmov s4;
	s0 =	sshll.u32 s0, $0x7  }
0x2a: {  	v16 =	vor.u32 $0x2, v8;
	v14 =	vld.idx.msk [tilespmem:v1+s8+$0x0 ss:$0x1], $0xffff;
	v11 =	vor.u32 v5, v6;
	v17 =	vadd.s32 s0, v8  }
0x2b: {  	v19 =	vand.u32 $0x7C, v8;
	vm2 =	vlt.u32 v11, $0x3FE00;
	v18 =	vand.u32 $0xFFFFFF80, v17  }
0x2c: {  	vm3 =	vgt.u32 v11, $0x1FF;
	v18 =	vor.u32 v19, v18;
	v7 =	vnsel vm2, $0x0, v7  }
0x2d: {  	vm1 =	vlt.u32 v6, $0x1FF;
	v6 =	vnsel vm3, $0x0, v9;
	[tilespmem:v8+s24+$0x0] =	vst.idx.msk $0xffff, v7;
	v7 =	vor.u32 $0x1, v18  }
0x2e: {  	vm0 =	veq.s32 v10, v0;
	v8 =	vor.u32 $0x2, v18;
	[tilespmem:v13+s24+$0x0] =	vst.idx.msk $0xffff, v6;
	v6 =	vnsel vm1, $0x0, v12  }
0x2f: {  	v59 =	vor.u32 $0x3, v18;
	[tilespmem:v16+s24+$0x0] =	vst.idx.msk $0xffff, v6;
	v6 =	vsel vm0, $0x0, v14  }
0x30: {  	v60 =	vadd.s32 $0x80, v18;
	[tilespmem:v15+s24+$0x0] =	vst.idx.msk $0xffff, v6;
	v6 =	vnsel vm2, $0x0, v11  }
0x31: {  	v61 =	vnsel vm3, $0x0, v11;
	[tilespmem:v18+s26+$0x0] =	vst.idx.msk $0xffff, v6;
	v6 =	vadd.s32 $0x81, v17  }
0x32: {  	[tilespmem:v7+s26+$0x0] =	vst.idx.msk $0xffff, v61;
	v7 =	vnsel vm1, $0x0, v11  }
0x33: {  	vm15 =	vgt.s32 v11, $0x200;
	[tilespmem:v8+s26+$0x0] =	vst.idx.msk $0xffff, v7;
	v7 =	vsel vm0, $0x0, v11;
	v8 =	vadd.s32 $0x200, v11  }
0x34: {  	v62 =	vadd.s32 $0x82, v17;
	v63 =	vnsel vm15, $0x200, v11;
	[tilespmem:v59+s26+$0x0] =	vst.idx.msk $0xffff, v7;
	v7 =	vnsel vm2, $0x0, v8  }
0x35: {  	[tilespmem:v60+s26+$0x0] =	vst.idx.msk $0xffff, v7;
	v7 =	vadd.s32 $0xFFFFFE00, v63  }
0x36: {  	s7 =	simm.s32 $0x1;
	[tilespmem:v6+s26+$0x0] =	vst.idx.msk $0xffff, v7;
	v6 =	vadd.s32 $0x83, v17  }
0x37: {  	s12 =	sand.u32 $0x1, s7;
	v8 =	vadd.s32 $0x1, v11  }
0x38: {  	p1 =	seq.s32 s30, $0x40;
	p2 =	seq.s32 s12, $0x1;
	v8 =	vnsel vm1, $0x0, v8;
	v7 =	vadd.s32 $0xFFFFFFFF, v11  }
0x39: {  	s4 =	simm.s32 $0x10;
	s0 =	simm.s32 $0x10;
	s8 =	simm.s32 $0x80;
	[tilespmem:v62+s26+$0x0] =	vst.idx.msk $0xffff, v8;
	v7 =	vsel vm0, $0x0, v7  }
.LBB2_3:
0x3a: {  	s11 =	sshra.s32 s8, $0x2;
	p1 =	por !p1, !p2  }
0x3b: {  	[tilespmem:v6+s26+$0x0] =	vst.idx.msk $0xffff, v7;
	s9 =	smov.u32 s8;
	s10 =	sadd.s32 $0x40, s8;
	p0 =	sne.s32 s8, $0x7C0  }
0x3c: {  	v6 =	vor.u32 s4, v0;
	s8 =	sadd.s32 s4, s29;
	s12 =	simm.s32 $0x1;
	v7 =	vld.idx.msk [tilespmem:v3+s0+$0x0 ss:$0x1], $0xffff;
	p1 =	por !p1, !p1  }
0x3d: {  	v8 =	vmov s4;
	v9 =	vor.u32 v5, v6;
	v10 =	vor.u32 v4, v6;
	s8 =	sshrl.u32 s8, $0x5;
	v11 =	vld.idx.msk [tilespmem:v2+s0+$0x0 ss:$0x1], $0xffff;
	s12 =	simm.s32 @!p1 $0x0  }
0x3e: {  	v10 =	vshll.u32 v10, $0x2;
	vm0 =	vgt.s32 v9, $0x200;
	v13 =	vadd.s32 $0x1, v9;
	v12 =	vld.idx.msk [tilespmem:v1+s0+$0x2 ss:$0x1], $0xffff;
	s8 =	ssub.s32 s8, s12  }
0x3f: {  	v15 =	vor.u32 $0x1, v10;
	v16 =	vor.u32 $0x3, v10;
	v17 =	vnsel vm0, $0x200, v9;
	v14 =	vld.idx.msk [tilespmem:v1+s0+$0x0 ss:$0x1], $0xffff;
	s8 =	sshll.u32 s8, $0x7;
	s0 =	smov.u32 s11  }
0x40: {  	vm0 =	veq.s32 v8, v0;
	v8 =	vor.u32 $0x2, v10;
	v18 =	vadd.s32 s8, v10  }
0x41: {  	vm1 =	vlt.u32 v9, $0x3FE00;
	v20 =	vand.u32 $0x7C, v10;
	v19 =	vand.u32 $0xFFFFFF80, v18  }
0x42: {  	vm2 =	vgt.u32 v9, $0x1FF;
	v7 =	vnsel vm1, $0x0, v7;
	v19 =	vor.u32 v20, v19  }
0x43: {  	vm3 =	vlt.u32 v6, $0x1FF;
	v6 =	vnsel vm2, $0x0, v11;
	[tilespmem:v10+s24+$0x0] =	vst.idx.msk $0xffff, v7;
	v7 =	vor.u32 $0x1, v19  }
0x44: {  	v11 =	vnsel vm3, $0x0, v13;
	v10 =	vor.u32 $0x2, v19;
	[tilespmem:v15+s24+$0x0] =	vst.idx.msk $0xffff, v6;
	v6 =	vnsel vm3, $0x0, v12  }
0x45: {  	v12 =	vor.u32 $0x3, v19;
	[tilespmem:v8+s24+$0x0] =	vst.idx.msk $0xffff, v6;
	v6 =	vsel vm0, $0x0, v14;
	v8 =	vnsel vm2, $0x0, v9  }
0x46: {  	v13 =	vadd.s32 $0x80, v19;
	[tilespmem:v16+s24+$0x0] =	vst.idx.msk $0xffff, v6;
	v6 =	vnsel vm1, $0x0, v9  }
0x47: {  	v14 =	vadd.s32 $0x81, v18;
	[tilespmem:v19+s26+$0x0] =	vst.idx.msk $0xffff, v6  }
0x48: {  	v6 =	vnsel vm3, $0x0, v9;
	[tilespmem:v7+s26+$0x0] =	vst.idx.msk $0xffff, v8;
	v7 =	vadd.s32 $0x82, v18  }
.Ltmp0:
0x49: {  	v8 =	vsel vm0, $0x0, v9;
	[tilespmem:v10+s26+$0x0] =	vst.idx.msk $0xffff, v6;
	v10 =	vadd.s32 $0x200, v9;
	v6 =	vadd.s32 $0x83, v18;
	(pc) =	sbr.rel @p0 .LBB2_3-.Ltmp0, $4  }
0x4a: {  	[tilespmem:v12+s26+$0x0] =	vst.idx.msk $0xffff, v8;
	v8 =	vnsel vm1, $0x0, v10  }
0x4b: {  	s7 =	sadd.s32 $0x1, s7;
	[tilespmem:v13+s26+$0x0] =	vst.idx.msk $0xffff, v8;
	v8 =	vadd.s32 $0xFFFFFE00, v17  }
0x4c: {  	s4 =	sadd.s32 $0x10, s4;
	s8 =	sand.u32 $0x1, s7;
	[tilespmem:v14+s26+$0x0] =	vst.idx.msk $0xffff, v8;
	v8 =	vadd.s32 $0xFFFFFFFF, v9  }
0x4d: {  	p1 =	seq.s32 s30, s9;
	p2 =	seq.s32 s8, $0x1;
	s8 =	smov.u32 s10;
	[tilespmem:v7+s26+$0x0] =	vst.idx.msk $0xffff, v11;
	v7 =	vsel vm0, $0x0, v8  }
0x4e: {  	_ =	sdelay $0x2  }
0x4f: {  	p0 =	por !p1, !p2  }
0x50: {  	[tilespmem:v6+s26+$0x0] =	vst.idx.msk $0xffff, v7;
	v55 =	vor.u32 s4, v0;
	s7 =	sadd.s32 s4, s29;
	s8 =	simm.s32 $0x1;
	p0 =	por !p0, !p0  }
0x51: {  	v3 =	vld.idx.msk [tilespmem:v3+s0+$0x0 ss:$0x1], $0xffff;
	v4 =	vor.u32 v4, v55;
	s7 =	sshrl.u32 s7, $0x5;
	s8 =	simm.s32 @!p0 $0x0  }
0x52: {  	v2 =	vld.idx.msk [tilespmem:v2+s0+$0x0 ss:$0x1], $0xffff;
	v4 =	vshll.u32 v4, $0x2;
	s7 =	ssub.s32 s7, s8  }
0x53: {  	v56 =	vmov s4;
	v5 =	vor.u32 v5, v55;
	v8 =	vld.idx.msk [tilespmem:v1+s0+$0x2 ss:$0x1], $0xffff;
	v9 =	vor.u32 $0x1, v4;
	s12 =	sshll.u32 s7, $0x7  }
0x54: {  	v1 =	vld.idx.msk [tilespmem:v1+s0+$0x0 ss:$0x1], $0xffff;
	vm0 =	vlt.u32 v5, $0x3FE00;
	v11 =	vor.u32 $0x2, v4;
	v12 =	vadd.s32 s12, v4  }
0x55: {  	v10 =	vor.u32 $0x3, v4;
	v14 =	vand.u32 $0x7C, v4;
	v13 =	vand.u32 $0xFFFFFF80, v12  }
0x56: {  	vm1 =	vgt.u32 v5, $0x1FF;
	v3 =	vnsel vm0, $0x0, v3;
	v13 =	vor.u32 v14, v13  }
0x57: {  	vm2 =	vlt.u32 v55, $0x1FF;
	v2 =	vnsel vm1, $0x0, v2;
	[tilespmem:v4+s24+$0x0] =	vst.idx.msk $0xffff, v3;
	v3 =	vor.u32 $0x1, v13  }
0x58: {  	vm3 =	veq.s32 v56, v0;
	[tilespmem:v9+s24+$0x0] =	vst.idx.msk $0xffff, v2;
	v2 =	vnsel vm2, $0x0, v8;
	v57 =	vor.u32 $0x2, v13  }
0x59: {  	v1 =	vsel vm3, $0x0, v1;
	[tilespmem:v11+s24+$0x0] =	vst.idx.msk $0xffff, v2;
	v2 =	vor.u32 $0x3, v13  }
0x5a: {  	v58 =	vadd.s32 $0x80, v13;
	[tilespmem:v10+s24+$0x0] =	vst.idx.msk $0xffff, v1;
	v1 =	vnsel vm0, $0x0, v5  }
0x5b: {  	v59 =	vnsel vm1, $0x0, v5;
	[tilespmem:v13+s26+$0x0] =	vst.idx.msk $0xffff, v1;
	v1 =	vadd.s32 $0x81, v12  }
0x5c: {  	s1 =	sadd.s32 $0x1, s1;
	vm15 =	vgt.s32 v5, $0x200;
	v60 =	vadd.s32 $0x82, v12;
	[tilespmem:v3+s26+$0x0] =	vst.idx.msk $0xffff, v59;
	v3 =	vnsel vm2, $0x0, v5  }
0x5d: {  	v61 =	vadd.s32 $0x200, v5;
	p0 =	sne.s32 s1, $0x4;
	v62 =	vadd.s32 $0x83, v12;
	[tilespmem:v57+s26+$0x0] =	vst.idx.msk $0xffff, v3;
	v3 =	vsel vm3, $0x0, v5  }
.Ltmp1:
0x5e: {  	v63 =	vnsel vm15, $0x200, v5;
	[tilespmem:v2+s26+$0x0] =	vst.idx.msk $0xffff, v3;
	v2 =	vnsel vm0, $0x0, v61;
	(pc) =	sbr.rel @p0 .LBB2_2-.Ltmp1, $4  }
0x5f: {  	v3 =	vadd.s32 $0x1, v5;
	[tilespmem:v58+s26+$0x0] =	vst.idx.msk $0xffff, v2;
	v2 =	vadd.s32 $0xFFFFFE00, v63  }
0x60: {  	v3 =	vnsel vm2, $0x0, v3;
	[tilespmem:v1+s26+$0x0] =	vst.idx.msk $0xffff, v2;
	v1 =	vadd.s32 $0xFFFFFFFF, v5  }
0x61: {  	s14 =	sadd.s32 $0x200, s14;
	[tilespmem:v60+s26+$0x0] =	vst.idx.msk $0xffff, v3;
	v1 =	vsel vm3, $0x0, v1  }
0x62: {  	s30 =	sadd.s32 $0xFFFFF800, s30;
	s29 =	sadd.s32 $0x200, s29;
	s15 =	sadd.s32 $0x1, s15;
	[tilespmem:v62+s26+$0x0] =	vst.idx.msk $0xffff, v1  }
0x63: {  	[hbm4b:s5+s3] =	stream.linear.scatter [tilespmem:s24], [sflag:$0x1], $0x2000, $0x38;
	[tilespmem:$0x1A480] =	vst v63  }
0x64: {  	s1 =	simm.s32 $0x4  }
0x65: {  	s8 =	simm.s32 $0x2000;
	s15 =	smov.u32 s17;
	s29 =	smov.u32 s16  }
0x66: {  	[hbm4b:s6+s3] =	stream.linear.scatter [tilespmem:s26], [sflag:$0x1], $0x4000, $0x38;
	[tilespmem:$0x1A480] =	vst v63  }
.LBB2_6:
0x67: {  	p1 =	slt.s32 s15, $0x10;
	s4 =	smov.u32 s15  }
0x68: {  	p0 =	sgt.s32 s15, $0x1;
	s0 =	smov.u32 s15;
	s4 =	simm.s32 @!p1 $0x10  }
0x69: {  	s9 =	sshll.u32 s1, $0x9;
	s0 =	simm.s32 @!p0 $0x1;
	s4 =	sshll.u32 s4, $0xB  }
0x6a: {  	s10 =	simm.s32 $0x0;
	s0 =	sshll.u32 s0, $0x9;
	s4 =	sshra.s32 s4, $0x2  }
0x6b: {  	s14 =	sor.u32 s2, s1;
	v2 =	vmov s9;
	v3 =	vor.u32 s10, v0;
	s0 =	sand.u32 $0x3FFFFE00, s0;
	s7 =	sadd.s32 $0x210, s4  }
0x6c: {  	s12 =	sshll.u32 s14, $0x9;
	v4 =	vor.u32 v2, v3;
	s11 =	sadd.s32 $0xFFFFFE10, s0;
	v5 =	vld [tilespmem:s7+$0x0]  }
0x6d: {  	v1 =	vmov s12;
	v4 =	vshll.u32 v4, $0x2;
	v6 =	vld [tilespmem:s11+$0x0]  }
0x6e: {  	v8 =	vld [tilespmem:s29+$0x0];
	s14 =	sand.u32 $0x3F80, s8;
	v57 =	vmov s10;
	v7 =	vor.u32 v1, v3;
	v9 =	vor.u32 $0x1, v4  }
0x6f: {  	v11 =	vld [tilespmem:s29+$0xFFFFFFFE];
	v10 =	vadd.s32 s14, v4;
	v12 =	vor.u32 $0x2, v4;
	v14 =	vand.u32 $0x7C, v4  }
0x70: {  	vm2 =	vlt.u32 v7, $0x3FE00;
	v15 =	vor.u32 $0x3, v4;
	v13 =	vand.u32 $0x7FFFFF80, v10  }
0x71: {  	vm3 =	vgt.u32 v7, $0x1FF;
	v13 =	vor.u32 v14, v13;
	v5 =	vnsel vm2, $0x0, v5  }
0x72: {  	vm1 =	vlt.u32 v3, $0x1FF;
	v3 =	vnsel vm3, $0x0, v6;
	[tilespmem:v4+s24+$0x0] =	vst.idx.msk $0xffff, v5;
	v4 =	vor.u32 $0x1, v13  }
0x73: {  	vm0 =	veq.s32 v57, v0;
	v5 =	vor.u32 $0x2, v13;
	[tilespmem:v9+s24+$0x0] =	vst.idx.msk $0xffff, v3;
	v3 =	vnsel vm1, $0x0, v8  }
0x74: {  	v6 =	vor.u32 $0x3, v13;
	[tilespmem:v12+s24+$0x0] =	vst.idx.msk $0xffff, v3;
	v3 =	vsel vm0, $0x0, v11  }
0x75: {  	v58 =	vnsel vm2, $0x0, v7;
	[tilespmem:v15+s24+$0x0] =	vst.idx.msk $0xffff, v3;
	v3 =	vadd.s32 $0x80, v13  }
0x76: {  	v59 =	vnsel vm3, $0x0, v7;
	v60 =	vadd.s32 $0x81, v10;
	[tilespmem:v13+s26+$0x0] =	vst.idx.msk $0xffff, v58  }
0x77: {  	v61 =	vnsel vm1, $0x0, v7;
	[tilespmem:v4+s26+$0x0] =	vst.idx.msk $0xffff, v59  }
0x78: {  	v62 =	vadd.s32 $0x200, v7;
	vm15 =	vgt.s32 v7, $0x200;
	[tilespmem:v5+s26+$0x0] =	vst.idx.msk $0xffff, v61;
	v5 =	vsel vm0, $0x0, v7  }
0x79: {  	v63 =	vnsel vm15, $0x200, v7;
	v9 =	vnsel vm2, $0x0, v62;
	v4 =	vadd.s32 $0x82, v10;
	[tilespmem:v6+s26+$0x0] =	vst.idx.msk $0xffff, v5  }
0x7a: {  	[tilespmem:v3+s26+$0x0] =	vst.idx.msk $0xffff, v9;
	v3 =	vadd.s32 $0xFFFFFE00, v63  }
0x7b: {  	[tilespmem:v60+s26+$0x0] =	vst.idx.msk $0xffff, v3;
	v3 =	vadd.s32 $0x83, v10  }
0x7c: {  	v5 =	vadd.s32 $0x1, v7  }
0x7d: {  	s30 =	smov.u32 s29;
	s10 =	simm.s32 $0x20;
	s0 =	simm.s32 $0x10;
	v6 =	vadd.s32 $0xFFFFFFFF, v7;
	v5 =	vnsel vm1, $0x0, v5  }
0x7e: {  	s14 =	smov.u32 s8;
	s4 =	sadd.s32 $0x10, s11;
	s7 =	sadd.s32 $0x10, s7;
	[tilespmem:v4+s26+$0x0] =	vst.idx.msk $0xffff, v5;
	v4 =	vsel vm0, $0x0, v6  }
.LBB2_7:
0x7f: {  	s14 =	sadd.s32 $0x40, s14  }
0x80: {  	v5 =	vor.u32 s0, v0;
	[tilespmem:v3+s26+$0x0] =	vst.idx.msk $0xffff, v4;
	s30 =	sadd.s32 $0x10, s30;
	s11 =	smov.u32 s10;
	s9 =	sadd.s32 $0x10, s10  }
0x81: {  	p0 =	sne.s32 s10, $0x1F0;
	v3 =	vmov s0;
	v4 =	vor.u32 v1, v5;
	v6 =	vor.u32 v2, v5;
	v7 =	vld [tilespmem:s7+$0x0];
	s0 =	smov.u32 s11  }
0x82: {  	s10 =	sand.u32 $0x3F80, s14;
	v8 =	vld [tilespmem:s4+$0x0];
	v6 =	vshll.u32 v6, $0x2;
	v9 =	vadd.s32 $0x200, v4;
	vm2 =	vgt.s32 v4, $0x200  }
0x83: {  	vm0 =	veq.s32 v3, v0;
	v10 =	vld [tilespmem:s30+$0x0];
	v3 =	vor.u32 $0x1, v6;
	v11 =	vadd.s32 s10, v6  }
0x84: {  	vm1 =	vlt.u32 v5, $0x1FF;
	v5 =	vor.u32 $0x2, v6;
	v12 =	vld [tilespmem:s30+$0xFFFFFFFE];
	v13 =	vand.u32 $0x7FFFFF80, v11  }
0x85: {  	vm3 =	vlt.u32 v4, $0x3FE00;
	v14 =	vor.u32 $0x3, v6;
	v15 =	vand.u32 $0x7C, v6  }
0x86: {  	vm4 =	vgt.u32 v4, $0x1FF;
	v13 =	vor.u32 v15, v13;
	v7 =	vnsel vm3, $0x0, v7  }
0x87: {  	[tilespmem:v6+s24+$0x0] =	vst.idx.msk $0xffff, v7;
	v6 =	vnsel vm4, $0x0, v8;
	v7 =	vnsel vm3, $0x0, v4;
	v8 =	vor.u32 $0x1, v13  }
0x88: {  	[tilespmem:v3+s24+$0x0] =	vst.idx.msk $0xffff, v6;
	v3 =	vnsel vm1, $0x0, v10;
	v6 =	vnsel vm4, $0x0, v4;
	v10 =	vor.u32 $0x2, v13  }
0x89: {  	[tilespmem:v5+s24+$0x0] =	vst.idx.msk $0xffff, v3;
	v3 =	vsel vm0, $0x0, v12;
	v5 =	vnsel vm1, $0x0, v4;
	v12 =	vor.u32 $0x3, v13  }
0x8a: {  	v9 =	vnsel vm3, $0x0, v9;
	v15 =	vadd.s32 $0xFFFFFFFF, v4;
	[tilespmem:v14+s24+$0x0] =	vst.idx.msk $0xffff, v3;
	v14 =	vadd.s32 $0x80, v13  }
0x8b: {  	[tilespmem:v13+s26+$0x0] =	vst.idx.msk $0xffff, v7;
	v7 =	vadd.s32 $0x81, v11;
	v13 =	vnsel vm2, $0x200, v4  }
0x8c: {  	[tilespmem:v8+s26+$0x0] =	vst.idx.msk $0xffff, v6;
	v6 =	vadd.s32 $0x82, v11  }
.Ltmp2:
0x8d: {  	v3 =	vadd.s32 $0x83, v11;
	[tilespmem:v10+s26+$0x0] =	vst.idx.msk $0xffff, v5;
	v5 =	vsel vm0, $0x0, v4;
	(pc) =	sbr.rel @p0 .LBB2_7-.Ltmp2, $4  }
0x8e: {  	[tilespmem:v12+s26+$0x0] =	vst.idx.msk $0xffff, v5  }
0x8f: {  	v4 =	vadd.s32 $0x1, v4;
	v5 =	vadd.s32 $0xFFFFFE00, v13;
	[tilespmem:v14+s26+$0x0] =	vst.idx.msk $0xffff, v9  }
0x90: {  	v4 =	vnsel vm1, $0x0, v4;
	[tilespmem:v7+s26+$0x0] =	vst.idx.msk $0xffff, v5  }
0x91: {  	s7 =	sadd.s32 $0x10, s7;
	s4 =	sadd.s32 $0x10, s4;
	s10 =	smov.u32 s9;
	[tilespmem:v6+s26+$0x0] =	vst.idx.msk $0xffff, v4;
	v4 =	vsel vm0, $0x0, v15  }
0x92: {  	_ =	sdelay $0x3  }
0x93: {  	v5 =	vor.u32 s0, v0;
	[tilespmem:v3+s26+$0x0] =	vst.idx.msk $0xffff, v4  }
0x94: {  	v2 =	vor.u32 v2, v5;
	v3 =	vld [tilespmem:s7+$0x0]  }
0x95: {  	s9 =	sadd.s32 $0x40, s14;
	s14 =	sadd.s32 $0x10, s30;
	v4 =	vld [tilespmem:s4+$0x0];
	v2 =	vshll.u32 v2, $0x2  }
0x96: {  	v51 =	vmov s0;
	s30 =	sand.u32 $0x3F80, s9;
	v1 =	vor.u32 v1, v5;
	v6 =	vld [tilespmem:s14+$0x0];
	v7 =	vor.u32 $0x1, v2  }
0x97: {  	v9 =	vld [tilespmem:s14+$0xFFFFFFFE];
	vm1 =	vlt.u32 v1, $0x3FE00;
	v8 =	vadd.s32 s30, v2;
	v10 =	vor.u32 $0x2, v2  }
0x98: {  	v12 =	vand.u32 $0x7C, v2;
	v13 =	vor.u32 $0x3, v2;
	v11 =	vand.u32 $0x7FFFFF80, v8  }
0x99: {  	vm2 =	vgt.u32 v1, $0x1FF;
	v11 =	vor.u32 v12, v11;
	v3 =	vnsel vm1, $0x0, v3  }
0x9a: {  	vm0 =	vlt.u32 v5, $0x1FF;
	[tilespmem:v2+s24+$0x0] =	vst.idx.msk $0xffff, v3;
	v2 =	vnsel vm2, $0x0, v4;
	v3 =	vor.u32 $0x1, v11  }
0x9b: {  	vm3 =	veq.s32 v51, v0;
	v52 =	vor.u32 $0x2, v11;
	[tilespmem:v7+s24+$0x0] =	vst.idx.msk $0xffff, v2;
	v2 =	vnsel vm0, $0x0, v6  }
0x9c: {  	v53 =	vor.u32 $0x3, v11;
	[tilespmem:v10+s24+$0x0] =	vst.idx.msk $0xffff, v2;
	v2 =	vsel vm3, $0x0, v9  }
0x9d: {  	v54 =	vnsel vm1, $0x0, v1;
	[tilespmem:v13+s24+$0x0] =	vst.idx.msk $0xffff, v2;
	v2 =	vadd.s32 $0x80, v11  }
0x9e: {  	v55 =	vnsel vm2, $0x0, v1;
	v56 =	vadd.s32 $0x81, v8;
	[tilespmem:v11+s26+$0x0] =	vst.idx.msk $0xffff, v54  }
0x9f: {  	s1 =	sadd.s32 $0x1, s1;
	v57 =	vadd.s32 $0x200, v1;
	v58 =	vnsel vm0, $0x0, v1;
	[tilespmem:v3+s26+$0x0] =	vst.idx.msk $0xffff, v55;
	v3 =	vadd.s32 $0x82, v8  }
0xa0: {  	p0 =	sne.s32 s1, $0x8;
	vm15 =	vgt.s32 v1, $0x200;
	v59 =	vsel vm3, $0x0, v1;
	v60 =	vadd.s32 $0x83, v8;
	[tilespmem:v52+s26+$0x0] =	vst.idx.msk $0xffff, v58  }
.Ltmp3:
0xa1: {  	v61 =	vnsel vm1, $0x0, v57;
	v62 =	vnsel vm15, $0x200, v1;
	[tilespmem:v53+s26+$0x0] =	vst.idx.msk $0xffff, v59;
	(pc) =	sbr.rel @p0 .LBB2_6-.Ltmp3, $4  }
0xa2: {  	v63 =	vadd.s32 $0x1, v1;
	[tilespmem:v2+s26+$0x0] =	vst.idx.msk $0xffff, v61;
	v2 =	vadd.s32 $0xFFFFFE00, v62  }
0xa3: {  	v1 =	vadd.s32 $0xFFFFFFFF, v1;
	[tilespmem:v56+s26+$0x0] =	vst.idx.msk $0xffff, v2;
	v2 =	vnsel vm0, $0x0, v63  }
0xa4: {  	v1 =	vsel vm3, $0x0, v1;
	[tilespmem:v3+s26+$0x0] =	vst.idx.msk $0xffff, v2  }
0xa5: {  	s8 =	sadd.s32 $0x800, s8;
	s29 =	sadd.s32 $0x200, s29;
	s15 =	sadd.s32 $0x1, s15;
	[tilespmem:v60+s26+$0x0] =	vst.idx.msk $0xffff, v1  }
0xa6: {  	s0 =	rddreg [dreg:$0x5];
	s1 =	simm.s32 $0x4480  }
0xa7: {  	[hbm4b:s0+s3] =	stream.linear.scatter [tilespmem:s1], [sflag:$0x1], $0x2000, $0x38;
	[tilespmem:$0x1A480] =	vst v63  }
0xa8: {  	s15 =	rddreg [dreg:$0x6];
	s30 =	simm.s32 $0xE480;
	s14 =	simm.s32 $0x4000  }
0xa9: {  	[hbm4b:s15+s3] =	stream.linear.scatter [tilespmem:s30], [sflag:$0x1], $0x4000, $0x38;
	[tilespmem:$0x1A480] =	vst v63  }
0xaa: {  	s29 =	smov.u32 s18;
	s1 =	simm.s32 $0x8;
	s15 =	smov.u32 s19  }
.LBB2_10:
0xab: {  	p1 =	slt.s32 s15, $0x10;
	s4 =	smov.u32 s15  }
0xac: {  	p0 =	sgt.s32 s15, $0x1;
	s0 =	smov.u32 s15;
	s4 =	simm.s32 @!p1 $0x10  }
0xad: {  	s8 =	sshll.u32 s1, $0x9;
	s0 =	simm.s32 @!p0 $0x1;
	s4 =	sshll.u32 s4, $0xB  }
0xae: {  	s9 =	simm.s32 $0x0;
	s0 =	sshll.u32 s0, $0x9;
	s4 =	sshra.s32 s4, $0x2  }
0xaf: {  	s10 =	sor.u32 s2, s1;
	v2 =	vmov s8;
	v3 =	vor.u32 s9, v0;
	s0 =	sand.u32 $0x3FFFFE00, s0;
	s7 =	sadd.s32 $0x210, s4  }
0xb0: {  	s11 =	sshll.u32 s10, $0x9;
	v4 =	vor.u32 v2, v3;
	s8 =	sadd.s32 $0xFFFFFE10, s0;
	v5 =	vld [tilespmem:s7+$0x0]  }
0xb1: {  	v1 =	vmov s11;
	v4 =	vshll.u32 v4, $0x2;
	v6 =	vld [tilespmem:s8+$0x0]  }
0xb2: {  	s12 =	sand.u32 $0x7F80, s14;
	v8 =	vld [tilespmem:s29+$0x0];
	v57 =	vmov s9;
	v7 =	vor.u32 v1, v3;
	v9 =	vor.u32 $0x1, v4  }
0xb3: {  	v11 =	vld [tilespmem:s29+$0xFFFFFFFE];
	v10 =	vadd.s32 s12, v4;
	v12 =	vor.u32 $0x2, v4;
	v14 =	vand.u32 $0x7C, v4  }
0xb4: {  	vm2 =	vlt.u32 v7, $0x3FE00;
	v15 =	vor.u32 $0x3, v4;
	v13 =	vand.u32 $0x7FFFFF80, v10  }
0xb5: {  	vm3 =	vgt.u32 v7, $0x1FF;
	v13 =	vor.u32 v14, v13;
	v5 =	vnsel vm2, $0x0, v5  }
0xb6: {  	vm1 =	vlt.u32 v3, $0x1FF;
	v3 =	vnsel vm3, $0x0, v6;
	[tilespmem:v4+s24+$0x0] =	vst.idx.msk $0xffff, v5;
	v4 =	vor.u32 $0x1, v13  }
0xb7: {  	vm0 =	veq.s32 v57, v0;
	v5 =	vor.u32 $0x2, v13;
	[tilespmem:v9+s24+$0x0] =	vst.idx.msk $0xffff, v3;
	v3 =	vnsel vm1, $0x0, v8  }
0xb8: {  	v6 =	vor.u32 $0x3, v13;
	[tilespmem:v12+s24+$0x0] =	vst.idx.msk $0xffff, v3;
	v3 =	vsel vm0, $0x0, v11  }
0xb9: {  	v58 =	vnsel vm2, $0x0, v7;
	[tilespmem:v15+s24+$0x0] =	vst.idx.msk $0xffff, v3;
	v3 =	vadd.s32 $0x80, v13  }
0xba: {  	v59 =	vnsel vm3, $0x0, v7;
	v60 =	vadd.s32 $0x81, v10;
	[tilespmem:v13+s26+$0x0] =	vst.idx.msk $0xffff, v58  }
0xbb: {  	v61 =	vnsel vm1, $0x0, v7;
	[tilespmem:v4+s26+$0x0] =	vst.idx.msk $0xffff, v59  }
0xbc: {  	v62 =	vadd.s32 $0x200, v7;
	vm15 =	vgt.s32 v7, $0x200;
	[tilespmem:v5+s26+$0x0] =	vst.idx.msk $0xffff, v61;
	v5 =	vsel vm0, $0x0, v7  }
0xbd: {  	v63 =	vnsel vm15, $0x200, v7;
	v9 =	vnsel vm2, $0x0, v62;
	v4 =	vadd.s32 $0x82, v10;
	[tilespmem:v6+s26+$0x0] =	vst.idx.msk $0xffff, v5  }
0xbe: {  	[tilespmem:v3+s26+$0x0] =	vst.idx.msk $0xffff, v9;
	v3 =	vadd.s32 $0xFFFFFE00, v63  }
0xbf: {  	[tilespmem:v60+s26+$0x0] =	vst.idx.msk $0xffff, v3;
	v3 =	vadd.s32 $0x83, v10  }
0xc0: {  	v5 =	vadd.s32 $0x1, v7  }
0xc1: {  	s30 =	smov.u32 s29;
	s10 =	simm.s32 $0x20;
	s0 =	simm.s32 $0x10;
	v6 =	vadd.s32 $0xFFFFFFFF, v7;
	v5 =	vnsel vm1, $0x0, v5  }
0xc2: {  	s4 =	sadd.s32 $0x10, s8;
	s7 =	sadd.s32 $0x10, s7;
	s8 =	smov.u32 s14;
	[tilespmem:v4+s26+$0x0] =	vst.idx.msk $0xffff, v5;
	v4 =	vsel vm0, $0x0, v6  }
.LBB2_11:
0xc3: {  	s8 =	sadd.s32 $0x40, s8  }
0xc4: {  	v5 =	vor.u32 s0, v0;
	[tilespmem:v3+s26+$0x0] =	vst.idx.msk $0xffff, v4;
	s30 =	sadd.s32 $0x10, s30;
	s11 =	smov.u32 s10;
	s9 =	sadd.s32 $0x10, s10  }
0xc5: {  	p0 =	sne.s32 s10, $0x1F0;
	v3 =	vmov s0;
	v4 =	vor.u32 v1, v5;
	v6 =	vor.u32 v2, v5;
	v7 =	vld [tilespmem:s7+$0x0];
	s0 =	smov.u32 s11  }
0xc6: {  	s10 =	sand.u32 $0x7F80, s8;
	v8 =	vld [tilespmem:s4+$0x0];
	v6 =	vshll.u32 v6, $0x2;
	v9 =	vadd.s32 $0x200, v4;
	vm2 =	vgt.s32 v4, $0x200  }
0xc7: {  	vm0 =	veq.s32 v3, v0;
	v10 =	vld [tilespmem:s30+$0x0];
	v3 =	vor.u32 $0x1, v6;
	v11 =	vadd.s32 s10, v6  }
0xc8: {  	vm1 =	vlt.u32 v5, $0x1FF;
	v5 =	vor.u32 $0x2, v6;
	v12 =	vld [tilespmem:s30+$0xFFFFFFFE];
	v13 =	vand.u32 $0x7FFFFF80, v11  }
0xc9: {  	vm3 =	vlt.u32 v4, $0x3FE00;
	v14 =	vor.u32 $0x3, v6;
	v15 =	vand.u32 $0x7C, v6  }
0xca: {  	vm4 =	vgt.u32 v4, $0x1FF;
	v13 =	vor.u32 v15, v13;
	v7 =	vnsel vm3, $0x0, v7  }
0xcb: {  	[tilespmem:v6+s24+$0x0] =	vst.idx.msk $0xffff, v7;
	v6 =	vnsel vm4, $0x0, v8;
	v7 =	vnsel vm3, $0x0, v4;
	v8 =	vor.u32 $0x1, v13  }
0xcc: {  	[tilespmem:v3+s24+$0x0] =	vst.idx.msk $0xffff, v6;
	v3 =	vnsel vm1, $0x0, v10;
	v6 =	vnsel vm4, $0x0, v4;
	v10 =	vor.u32 $0x2, v13  }
0xcd: {  	[tilespmem:v5+s24+$0x0] =	vst.idx.msk $0xffff, v3;
	v3 =	vsel vm0, $0x0, v12;
	v5 =	vnsel vm1, $0x0, v4;
	v12 =	vor.u32 $0x3, v13  }
0xce: {  	v9 =	vnsel vm3, $0x0, v9;
	v15 =	vadd.s32 $0xFFFFFFFF, v4;
	[tilespmem:v14+s24+$0x0] =	vst.idx.msk $0xffff, v3;
	v14 =	vadd.s32 $0x80, v13  }
0xcf: {  	[tilespmem:v13+s26+$0x0] =	vst.idx.msk $0xffff, v7;
	v7 =	vadd.s32 $0x81, v11;
	v13 =	vnsel vm2, $0x200, v4  }
0xd0: {  	[tilespmem:v8+s26+$0x0] =	vst.idx.msk $0xffff, v6;
	v6 =	vadd.s32 $0x82, v11  }
.Ltmp4:
0xd1: {  	v3 =	vadd.s32 $0x83, v11;
	[tilespmem:v10+s26+$0x0] =	vst.idx.msk $0xffff, v5;
	v5 =	vsel vm0, $0x0, v4;
	(pc) =	sbr.rel @p0 .LBB2_11-.Ltmp4, $4  }
0xd2: {  	[tilespmem:v12+s26+$0x0] =	vst.idx.msk $0xffff, v5  }
0xd3: {  	v4 =	vadd.s32 $0x1, v4;
	v5 =	vadd.s32 $0xFFFFFE00, v13;
	[tilespmem:v14+s26+$0x0] =	vst.idx.msk $0xffff, v9  }
0xd4: {  	v4 =	vnsel vm1, $0x0, v4;
	[tilespmem:v7+s26+$0x0] =	vst.idx.msk $0xffff, v5  }
0xd5: {  	s7 =	sadd.s32 $0x10, s7;
	s4 =	sadd.s32 $0x10, s4;
	s10 =	smov.u32 s9;
	[tilespmem:v6+s26+$0x0] =	vst.idx.msk $0xffff, v4;
	v4 =	vsel vm0, $0x0, v15  }
0xd6: {  	_ =	sdelay $0x3  }
0xd7: {  	v5 =	vor.u32 s0, v0;
	[tilespmem:v3+s26+$0x0] =	vst.idx.msk $0xffff, v4  }
0xd8: {  	v2 =	vor.u32 v2, v5;
	v3 =	vld [tilespmem:s7+$0x0]  }
0xd9: {  	s8 =	sadd.s32 $0x40, s8;
	s12 =	sadd.s32 $0x10, s30;
	v4 =	vld [tilespmem:s4+$0x0];
	v2 =	vshll.u32 v2, $0x2  }
0xda: {  	v51 =	vmov s0;
	s30 =	sand.u32 $0x7F80, s8;
	v1 =	vor.u32 v1, v5;
	v6 =	vld [tilespmem:s12+$0x0];
	v7 =	vor.u32 $0x1, v2  }
0xdb: {  	v9 =	vld [tilespmem:s12+$0xFFFFFFFE];
	vm1 =	vlt.u32 v1, $0x3FE00;
	v8 =	vadd.s32 s30, v2;
	v10 =	vor.u32 $0x2, v2  }
0xdc: {  	v12 =	vand.u32 $0x7C, v2;
	v13 =	vor.u32 $0x3, v2;
	v11 =	vand.u32 $0x7FFFFF80, v8  }
0xdd: {  	vm2 =	vgt.u32 v1, $0x1FF;
	v11 =	vor.u32 v12, v11;
	v3 =	vnsel vm1, $0x0, v3  }
0xde: {  	vm0 =	vlt.u32 v5, $0x1FF;
	[tilespmem:v2+s24+$0x0] =	vst.idx.msk $0xffff, v3;
	v2 =	vnsel vm2, $0x0, v4;
	v3 =	vor.u32 $0x1, v11  }
0xdf: {  	vm3 =	veq.s32 v51, v0;
	v52 =	vor.u32 $0x2, v11;
	[tilespmem:v7+s24+$0x0] =	vst.idx.msk $0xffff, v2;
	v2 =	vnsel vm0, $0x0, v6  }
0xe0: {  	v53 =	vor.u32 $0x3, v11;
	[tilespmem:v10+s24+$0x0] =	vst.idx.msk $0xffff, v2;
	v2 =	vsel vm3, $0x0, v9  }
0xe1: {  	v54 =	vnsel vm1, $0x0, v1;
	[tilespmem:v13+s24+$0x0] =	vst.idx.msk $0xffff, v2;
	v2 =	vadd.s32 $0x80, v11  }
0xe2: {  	v55 =	vnsel vm2, $0x0, v1;
	v56 =	vadd.s32 $0x81, v8;
	[tilespmem:v11+s26+$0x0] =	vst.idx.msk $0xffff, v54  }
0xe3: {  	s1 =	sadd.s32 $0x1, s1;
	v57 =	vadd.s32 $0x200, v1;
	v58 =	vnsel vm0, $0x0, v1;
	[tilespmem:v3+s26+$0x0] =	vst.idx.msk $0xffff, v55;
	v3 =	vadd.s32 $0x82, v8  }
0xe4: {  	p0 =	sne.s32 s1, $0xC;
	vm15 =	vgt.s32 v1, $0x200;
	v59 =	vsel vm3, $0x0, v1;
	v60 =	vadd.s32 $0x83, v8;
	[tilespmem:v52+s26+$0x0] =	vst.idx.msk $0xffff, v58  }
.Ltmp5:
0xe5: {  	v61 =	vnsel vm1, $0x0, v57;
	v62 =	vnsel vm15, $0x200, v1;
	[tilespmem:v53+s26+$0x0] =	vst.idx.msk $0xffff, v59;
	(pc) =	sbr.rel @p0 .LBB2_10-.Ltmp5, $4  }
0xe6: {  	v63 =	vadd.s32 $0x1, v1;
	[tilespmem:v2+s26+$0x0] =	vst.idx.msk $0xffff, v61;
	v2 =	vadd.s32 $0xFFFFFE00, v62  }
0xe7: {  	v1 =	vadd.s32 $0xFFFFFFFF, v1;
	[tilespmem:v56+s26+$0x0] =	vst.idx.msk $0xffff, v2;
	v2 =	vnsel vm0, $0x0, v63  }
0xe8: {  	v1 =	vsel vm3, $0x0, v1;
	[tilespmem:v3+s26+$0x0] =	vst.idx.msk $0xffff, v2  }
0xe9: {  	s14 =	sadd.s32 $0x800, s14;
	s29 =	sadd.s32 $0x200, s29;
	s15 =	sadd.s32 $0x1, s15;
	[tilespmem:v60+s26+$0x0] =	vst.idx.msk $0xffff, v1  }
0xea: {  	s0 =	rddreg [dreg:$0x7];
	s1 =	simm.s32 $0x6480  }
0xeb: {  	[hbm4b:s0+s3] =	stream.linear.scatter [tilespmem:s1], [sflag:$0x1], $0x2000, $0x38;
	[tilespmem:$0x1A480] =	vst v63  }
0xec: {  	s15 =	rddreg [dreg:$0x8];
	s30 =	simm.s32 $0x12480;
	s14 =	simm.s32 $0x6000  }
0xed: {  	[hbm4b:s15+s3] =	stream.linear.scatter [tilespmem:s30], [sflag:$0x1], $0x4000, $0x38;
	[tilespmem:$0x1A480] =	vst v63  }
0xee: {  	s29 =	smov.u32 s20;
	s1 =	simm.s32 $0xC;
	s15 =	smov.u32 s21  }
.LBB2_14:
0xef: {  	p1 =	slt.s32 s15, $0x10;
	s4 =	smov.u32 s15  }
0xf0: {  	p0 =	sgt.s32 s15, $0x1;
	s0 =	smov.u32 s15;
	s4 =	simm.s32 @!p1 $0x10  }
0xf1: {  	s8 =	sshll.u32 s1, $0x9;
	s0 =	simm.s32 @!p0 $0x1;
	s4 =	sshll.u32 s4, $0xB  }
0xf2: {  	s9 =	simm.s32 $0x0;
	s0 =	sshll.u32 s0, $0x9;
	s4 =	sshra.s32 s4, $0x2  }
0xf3: {  	s10 =	sor.u32 s2, s1;
	v2 =	vmov s8;
	v3 =	vor.u32 s9, v0;
	s0 =	sand.u32 $0x3FFFFE00, s0;
	s7 =	sadd.s32 $0x210, s4  }
0xf4: {  	s11 =	sshll.u32 s10, $0x9;
	v4 =	vor.u32 v2, v3;
	s8 =	sadd.s32 $0xFFFFFE10, s0;
	v5 =	vld [tilespmem:s7+$0x0]  }
0xf5: {  	v1 =	vmov s11;
	v4 =	vshll.u32 v4, $0x2;
	v6 =	vld [tilespmem:s8+$0x0]  }
0xf6: {  	s12 =	sand.u32 $0x7F80, s14;
	v8 =	vld [tilespmem:s29+$0x0];
	v57 =	vmov s9;
	v7 =	vor.u32 v1, v3;
	v9 =	vor.u32 $0x1, v4  }
0xf7: {  	v11 =	vld [tilespmem:s29+$0xFFFFFFFE];
	v10 =	vadd.s32 s12, v4;
	v12 =	vor.u32 $0x2, v4;
	v14 =	vand.u32 $0x7C, v4  }
0xf8: {  	vm2 =	vlt.u32 v7, $0x3FE00;
	v15 =	vor.u32 $0x3, v4;
	v13 =	vand.u32 $0x7FFFFF80, v10  }
0xf9: {  	vm3 =	vgt.u32 v7, $0x1FF;
	v13 =	vor.u32 v14, v13;
	v5 =	vnsel vm2, $0x0, v5  }
0xfa: {  	vm1 =	vlt.u32 v3, $0x1FF;
	v3 =	vnsel vm3, $0x0, v6;
	[tilespmem:v4+s24+$0x0] =	vst.idx.msk $0xffff, v5;
	v4 =	vor.u32 $0x1, v13  }
0xfb: {  	vm0 =	veq.s32 v57, v0;
	v5 =	vor.u32 $0x2, v13;
	[tilespmem:v9+s24+$0x0] =	vst.idx.msk $0xffff, v3;
	v3 =	vnsel vm1, $0x0, v8  }
0xfc: {  	v6 =	vor.u32 $0x3, v13;
	[tilespmem:v12+s24+$0x0] =	vst.idx.msk $0xffff, v3;
	v3 =	vsel vm0, $0x0, v11  }
0xfd: {  	v58 =	vnsel vm2, $0x0, v7;
	[tilespmem:v15+s24+$0x0] =	vst.idx.msk $0xffff, v3;
	v3 =	vadd.s32 $0x80, v13  }
0xfe: {  	v59 =	vnsel vm3, $0x0, v7;
	v60 =	vadd.s32 $0x81, v10;
	[tilespmem:v13+s26+$0x0] =	vst.idx.msk $0xffff, v58  }
0xff: {  	v61 =	vnsel vm1, $0x0, v7;
	[tilespmem:v4+s26+$0x0] =	vst.idx.msk $0xffff, v59  }
0x100: {  	v62 =	vadd.s32 $0x200, v7;
	vm15 =	vgt.s32 v7, $0x200;
	[tilespmem:v5+s26+$0x0] =	vst.idx.msk $0xffff, v61;
	v5 =	vsel vm0, $0x0, v7  }
0x101: {  	v63 =	vnsel vm15, $0x200, v7;
	v9 =	vnsel vm2, $0x0, v62;
	v4 =	vadd.s32 $0x82, v10;
	[tilespmem:v6+s26+$0x0] =	vst.idx.msk $0xffff, v5  }
0x102: {  	[tilespmem:v3+s26+$0x0] =	vst.idx.msk $0xffff, v9;
	v3 =	vadd.s32 $0xFFFFFE00, v63  }
0x103: {  	[tilespmem:v60+s26+$0x0] =	vst.idx.msk $0xffff, v3;
	v3 =	vadd.s32 $0x83, v10  }
0x104: {  	v5 =	vadd.s32 $0x1, v7  }
0x105: {  	s30 =	smov.u32 s29;
	s10 =	simm.s32 $0x20;
	s0 =	simm.s32 $0x10;
	v6 =	vadd.s32 $0xFFFFFFFF, v7;
	v5 =	vnsel vm1, $0x0, v5  }
0x106: {  	s4 =	sadd.s32 $0x10, s8;
	s7 =	sadd.s32 $0x10, s7;
	s8 =	smov.u32 s14;
	[tilespmem:v4+s26+$0x0] =	vst.idx.msk $0xffff, v5;
	v4 =	vsel vm0, $0x0, v6  }
.LBB2_15:
0x107: {  	s8 =	sadd.s32 $0x40, s8  }
0x108: {  	v5 =	vor.u32 s0, v0;
	[tilespmem:v3+s26+$0x0] =	vst.idx.msk $0xffff, v4;
	s30 =	sadd.s32 $0x10, s30;
	s11 =	smov.u32 s10;
	s9 =	sadd.s32 $0x10, s10  }
0x109: {  	p0 =	sne.s32 s10, $0x1F0;
	v3 =	vmov s0;
	v4 =	vor.u32 v1, v5;
	v6 =	vor.u32 v2, v5;
	v7 =	vld [tilespmem:s7+$0x0];
	s0 =	smov.u32 s11  }
0x10a: {  	s10 =	sand.u32 $0x7F80, s8;
	v8 =	vld [tilespmem:s4+$0x0];
	v6 =	vshll.u32 v6, $0x2;
	v9 =	vadd.s32 $0x200, v4;
	vm2 =	vgt.s32 v4, $0x200  }
0x10b: {  	vm0 =	veq.s32 v3, v0;
	v10 =	vld [tilespmem:s30+$0x0];
	v3 =	vor.u32 $0x1, v6;
	v11 =	vadd.s32 s10, v6  }
0x10c: {  	vm1 =	vlt.u32 v5, $0x1FF;
	v5 =	vor.u32 $0x2, v6;
	v12 =	vld [tilespmem:s30+$0xFFFFFFFE];
	v13 =	vand.u32 $0x7FFFFF80, v11  }
0x10d: {  	vm3 =	vlt.u32 v4, $0x3FE00;
	v14 =	vor.u32 $0x3, v6;
	v15 =	vand.u32 $0x7C, v6  }
0x10e: {  	vm4 =	vgt.u32 v4, $0x1FF;
	v13 =	vor.u32 v15, v13;
	v7 =	vnsel vm3, $0x0, v7  }
0x10f: {  	[tilespmem:v6+s24+$0x0] =	vst.idx.msk $0xffff, v7;
	v6 =	vnsel vm4, $0x0, v8;
	v7 =	vnsel vm3, $0x0, v4;
	v8 =	vor.u32 $0x1, v13  }
0x110: {  	[tilespmem:v3+s24+$0x0] =	vst.idx.msk $0xffff, v6;
	v3 =	vnsel vm1, $0x0, v10;
	v6 =	vnsel vm4, $0x0, v4;
	v10 =	vor.u32 $0x2, v13  }
0x111: {  	[tilespmem:v5+s24+$0x0] =	vst.idx.msk $0xffff, v3;
	v3 =	vsel vm0, $0x0, v12;
	v5 =	vnsel vm1, $0x0, v4;
	v12 =	vor.u32 $0x3, v13  }
0x112: {  	v9 =	vnsel vm3, $0x0, v9;
	v15 =	vadd.s32 $0xFFFFFFFF, v4;
	[tilespmem:v14+s24+$0x0] =	vst.idx.msk $0xffff, v3;
	v14 =	vadd.s32 $0x80, v13  }
0x113: {  	[tilespmem:v13+s26+$0x0] =	vst.idx.msk $0xffff, v7;
	v7 =	vadd.s32 $0x81, v11;
	v13 =	vnsel vm2, $0x200, v4  }
0x114: {  	[tilespmem:v8+s26+$0x0] =	vst.idx.msk $0xffff, v6;
	v6 =	vadd.s32 $0x82, v11  }
.Ltmp6:
0x115: {  	v3 =	vadd.s32 $0x83, v11;
	[tilespmem:v10+s26+$0x0] =	vst.idx.msk $0xffff, v5;
	v5 =	vsel vm0, $0x0, v4;
	(pc) =	sbr.rel @p0 .LBB2_15-.Ltmp6, $4  }
0x116: {  	[tilespmem:v12+s26+$0x0] =	vst.idx.msk $0xffff, v5  }
0x117: {  	v4 =	vadd.s32 $0x1, v4;
	v5 =	vadd.s32 $0xFFFFFE00, v13;
	[tilespmem:v14+s26+$0x0] =	vst.idx.msk $0xffff, v9  }
0x118: {  	v4 =	vnsel vm1, $0x0, v4;
	[tilespmem:v7+s26+$0x0] =	vst.idx.msk $0xffff, v5  }
0x119: {  	s7 =	sadd.s32 $0x10, s7;
	s4 =	sadd.s32 $0x10, s4;
	s10 =	smov.u32 s9;
	[tilespmem:v6+s26+$0x0] =	vst.idx.msk $0xffff, v4;
	v4 =	vsel vm0, $0x0, v15  }
0x11a: {  	_ =	sdelay $0x3  }
0x11b: {  	v5 =	vor.u32 s0, v0;
	[tilespmem:v3+s26+$0x0] =	vst.idx.msk $0xffff, v4  }
0x11c: {  	v2 =	vor.u32 v2, v5;
	v3 =	vld [tilespmem:s7+$0x0]  }
0x11d: {  	s8 =	sadd.s32 $0x40, s8;
	s12 =	sadd.s32 $0x10, s30;
	v4 =	vld [tilespmem:s4+$0x0];
	v2 =	vshll.u32 v2, $0x2  }
0x11e: {  	v51 =	vmov s0;
	s30 =	sand.u32 $0x7F80, s8;
	v1 =	vor.u32 v1, v5;
	v6 =	vld [tilespmem:s12+$0x0];
	v7 =	vor.u32 $0x1, v2  }
0x11f: {  	v9 =	vld [tilespmem:s12+$0xFFFFFFFE];
	vm1 =	vlt.u32 v1, $0x3FE00;
	v8 =	vadd.s32 s30, v2;
	v10 =	vor.u32 $0x2, v2  }
0x120: {  	v12 =	vand.u32 $0x7C, v2;
	v13 =	vor.u32 $0x3, v2;
	v11 =	vand.u32 $0x7FFFFF80, v8  }
0x121: {  	vm2 =	vgt.u32 v1, $0x1FF;
	v11 =	vor.u32 v12, v11;
	v3 =	vnsel vm1, $0x0, v3  }
0x122: {  	vm0 =	vlt.u32 v5, $0x1FF;
	[tilespmem:v2+s24+$0x0] =	vst.idx.msk $0xffff, v3;
	v2 =	vnsel vm2, $0x0, v4;
	v3 =	vor.u32 $0x1, v11  }
0x123: {  	vm3 =	veq.s32 v51, v0;
	v52 =	vor.u32 $0x2, v11;
	[tilespmem:v7+s24+$0x0] =	vst.idx.msk $0xffff, v2;
	v2 =	vnsel vm0, $0x0, v6  }
0x124: {  	v53 =	vor.u32 $0x3, v11;
	[tilespmem:v10+s24+$0x0] =	vst.idx.msk $0xffff, v2;
	v2 =	vsel vm3, $0x0, v9  }
0x125: {  	v54 =	vnsel vm1, $0x0, v1;
	[tilespmem:v13+s24+$0x0] =	vst.idx.msk $0xffff, v2;
	v2 =	vadd.s32 $0x80, v11  }
0x126: {  	v55 =	vnsel vm2, $0x0, v1;
	v56 =	vadd.s32 $0x81, v8;
	[tilespmem:v11+s26+$0x0] =	vst.idx.msk $0xffff, v54  }
0x127: {  	s1 =	sadd.s32 $0x1, s1;
	v57 =	vadd.s32 $0x200, v1;
	v58 =	vnsel vm0, $0x0, v1;
	[tilespmem:v3+s26+$0x0] =	vst.idx.msk $0xffff, v55;
	v3 =	vadd.s32 $0x82, v8  }
0x128: {  	p0 =	sne.s32 s1, $0x10;
	vm15 =	vgt.s32 v1, $0x200;
	v59 =	vsel vm3, $0x0, v1;
	v60 =	vadd.s32 $0x83, v8;
	[tilespmem:v52+s26+$0x0] =	vst.idx.msk $0xffff, v58  }
.Ltmp7:
0x129: {  	v61 =	vnsel vm1, $0x0, v57;
	v62 =	vnsel vm15, $0x200, v1;
	[tilespmem:v53+s26+$0x0] =	vst.idx.msk $0xffff, v59;
	(pc) =	sbr.rel @p0 .LBB2_14-.Ltmp7, $4  }
0x12a: {  	v63 =	vadd.s32 $0x1, v1;
	[tilespmem:v2+s26+$0x0] =	vst.idx.msk $0xffff, v61;
	v2 =	vadd.s32 $0xFFFFFE00, v62  }
0x12b: {  	v1 =	vadd.s32 $0xFFFFFFFF, v1;
	[tilespmem:v56+s26+$0x0] =	vst.idx.msk $0xffff, v2;
	v2 =	vnsel vm0, $0x0, v63  }
0x12c: {  	v1 =	vsel vm3, $0x0, v1;
	[tilespmem:v3+s26+$0x0] =	vst.idx.msk $0xffff, v2  }
0x12d: {  	s14 =	sadd.s32 $0x800, s14;
	s29 =	sadd.s32 $0x200, s29;
	s15 =	sadd.s32 $0x1, s15;
	[tilespmem:v60+s26+$0x0] =	vst.idx.msk $0xffff, v1  }
0x12e: {  	s0 =	rddreg [dreg:$0x9];
	s1 =	simm.s32 $0x8480  }
0x12f: {  	[hbm4b:s0+s3] =	stream.linear.scatter [tilespmem:s1], [sflag:$0x1], $0x2000, $0x38;
	[tilespmem:$0x1A480] =	vst v63  }
0x130: {  	s29 =	rddreg [dreg:$0xa];
	s30 =	simm.s32 $0x16480  }
0x131: {  	[hbm4b:s29+s3] =	stream.linear.scatter [tilespmem:s30], [sflag:$0x1], $0x4000, $0x38;
	[tilespmem:$0x1A480] =	vst v63  }
0x132: {  	_ =	swait.ge [sflag:s25], $0x2000  }
0x133: {  	[sflag:s25] =	ssyncset.done $0x0  }
0x134: {  	[sflag:s25] =	ssyncadd.s32 $0xFFFFE000  }
0x135: {  	_ =	swait.ge [sflag:s25], $0x4000  }
0x136: {  	[sflag:s25] =	ssyncset.done $0x0  }
0x137: {  	[sflag:s25] =	ssyncadd.s32 $0xFFFFC000  }
0x138: {  	_ =	swait.ge [sflag:s25], $0x2000  }
0x139: {  	[sflag:s25] =	ssyncset.done $0x0  }
0x13a: {  	[sflag:s25] =	ssyncadd.s32 $0xFFFFE000  }
0x13b: {  	_ =	swait.ge [sflag:s25], $0x4000  }
0x13c: {  	[sflag:s25] =	ssyncset.done $0x0  }
0x13d: {  	[sflag:s25] =	ssyncadd.s32 $0xFFFFC000  }
0x13e: {  	_ =	swait.ge [sflag:s25], $0x2000  }
0x13f: {  	[sflag:s25] =	ssyncset.done $0x0  }
0x140: {  	[sflag:s25] =	ssyncadd.s32 $0xFFFFE000  }
0x141: {  	_ =	swait.ge [sflag:s25], $0x4000  }
0x142: {  	[sflag:s25] =	ssyncset.done $0x0  }
0x143: {  	s22 =	sadd.s32 $0x1, s22;
	[sflag:s25] =	ssyncadd.s32 $0xFFFFC000  }
0x144: {  	p0 =	sne.s32 s22, s13;
	_ =	swait.ge [sflag:s25], $0x2000  }
.Ltmp8:
0x145: {  	[sflag:s25] =	ssyncset.done $0x0;
	(pc) =	sbr.rel @p0 .LBB2_1-.Ltmp8, $4  }
0x146: {  	[sflag:s25] =	ssyncadd.s32 $0xFFFFE000  }
0x147: {  	_ =	swait.ge [sflag:s25], $0x4000  }
0x148: {  	[sflag:s25] =	ssyncset.done $0x0  }
0x149: {  	[sflag:s25] =	ssyncadd.s32 $0xFFFFC000  }
0x14a: {  	_ =	sfence.sel $0x180000  }
0x14b: {  	[bflag:$0x0] =	sbarrier.arrive $0xFFFF  }
0x14c: {  	_ =	strace $0x90000047  }
0x14d: {  	s0 =	stileid.u32;
	[bflag:$0x2] =	sbarrier.arrive $0xFFFF  }
0x14e: {  	p0 =	sne.s32 s0, $0x0;
	s0 =	rddreg [dreg:$0x3]  }
0x14f: {  	s0 =	sadd.s32 @!p0 $0x100000, s0  }
0x150: {  	[sflag:s0] =	ssyncadd.tile.s32 @!p0 $0x1;
	_ =	shalt  }
.Lfunc_end2:
_tile_overlayer_lowered:
.L_overlay_start_2:
0x151: {  	(tag) =	ssettag $0x2  }
0x152: {  	s0 =	rddreg [dreg:$0x0];
	s2 =	stileid.u32  }
0x153: {  	s1 =	rddreg [dreg:$0x1];
	p0 =	sne.s32 s2, $0x0  }
0x154: {  	s3 =	rddreg [dreg:$0x2];
	[bflag:$0x3] =	sbarrier.arrive $0xFFFF;
	s2 =	simm.s32 @!p0 $0x1C02  }
0x155: {  	[timem:s3], [sflag:s2] =	dma.local @!p0 [hbm:s0], s1  }
0x156: {  	s0 =	simm.s32 @!p0 $0x2  }
0x157: {  	_ =	swait.ge @!p0 [sflag:s0], s1  }
0x158: {  	s1 =	ssub.s32 @!p0 $0x0, s1;
	[sflag:s0] =	ssyncset.done @!p0 $0x0  }
0x159: {  	[sflag:s0] =	ssyncadd.s32 @!p0 s1  }
0x15a: {  	[bflag:$0x3] =	sbarrier.arrive $0xFFFF  }
0x15b: {  	_ =	shalt  }

</sc_bundles>
